<compile_context>
chip_gen: v7x
topology: tpu7x:2x2x1
jax: 0.10.2.dev20260603
libtpu: 0.0.44.dev20260713+nightly
codegen_flags: <defaults>
</compile_context>

<pallas_src>
import functools

import jax
import jax.numpy as jnp
from jax import lax
from jax.experimental import pallas as pl
from jax.experimental.pallas import tpu as pltpu
from jax.experimental.pallas import tpu_sc as plsc

_NUM_CORES = 2
_NUM_SUBCORES = 16
_NUM_WORKERS = _NUM_CORES * _NUM_SUBCORES
_RB = 4


def _sload(ref, i):
    return ref[pl.ds(i, 16)][0]


def _sstore(ref, i, val_vec16, lane0_mask):
    plsc.store_scatter(ref, [jnp.full((16,), i, jnp.int32)], val_vec16, mask=lane0_mask)


def _inv_kernel(
    N, V, D, idx_hbm, table_hbm, out_hbm, idx_all, punsort, plist, cursor,
    buf0, buf1, rsem0, rsem1, wsem0, wsem1
):
    bufs = (buf0, buf1)
    rsems = (rsem0, rsem1)
    wsems = (wsem0, wsem1)
    wid = lax.axis_index("s") * _NUM_CORES + lax.axis_index("c")
    vr = V // _NUM_WORKERS
    nch = vr // _RB
    lo = wid * vr

    lane = lax.iota(jnp.int32, 16)
    lane0 = lane == 0
    ones = jnp.ones((16,), jnp.int32)

    pltpu.sync_copy(idx_hbm, idx_all.at[pl.ds(0, N)])

    for b in range(2):
        pltpu.async_copy(table_hbm.at[pl.ds(lo + b * _RB, _RB)], bufs[b], rsems[b])

    @pl.loop(0, N // 16, init_carry=0, unroll=2)
    def count(i, cnt):
        vals = idx_all[pl.ds(i * 16, 16)]
        mask = (vals >= lo) & (vals < lo + vr)
        packed = vals * 16384 + (lane + i * 16)
        cs = plsc.cumsum(mask.astype(jnp.int32))
        plsc.store_scatter(punsort, [cnt + cs - 1], packed, mask=mask)
        return cnt + cs[15]

    @pl.loop(0, 4)
    def _zero(i):
        cursor[pl.ds(i * 16, 16)] = jnp.zeros((16,), jnp.int32)

    @pl.loop(0, (count + 15) // 16)
    def _hist(g):
        in_range = g * 16 + lane < count
        w = punsort[pl.ds(g * 16, 16)]
        bins = (w // 16384 - lo) // _RB + 1
        plsc.addupdate_scatter(cursor, [jnp.where(in_range, bins, 63)], ones, mask=in_range)

    @pl.loop(0, nch)
    def _scan(b):
        sv = cursor[pl.ds(b, 16)]
        nxt = cursor[pl.ds(b + 1, 16)]
        _sstore(cursor, b + 1, nxt + sv[0], lane0)

    @pl.loop(0, count)
    def _place(j):
        wv = punsort[pl.ds(j, 16)]
        w = wv[0]
        b = (w // 16384 - lo) // _RB
        sv = cursor[pl.ds(b, 16)]
        _sstore(plist, sv[0], wv, lane0)
        _sstore(cursor, b, sv + 1, lane0)

    @pl.loop(0, nch, step=2, init_carry=0)
    def _chunks(c0, start):
        for b in range(2):
            c = c0 + b
            buf = bufs[b]
            pltpu.make_async_copy(
                table_hbm.at[pl.ds(lo + c * _RB, _RB)], buf, rsems[b]
            ).wait()
            endc = _sload(cursor, c)

            @pl.loop(start, endc)
            def _scatter(j):
                w = _sload(plist, j)
                p = w % 16384
                r = w // 16384 - (lo + c * _RB)
                pltpu.async_copy(buf.at[pl.ds(r, 1)], out_hbm.at[pl.ds(p, 1)], wsems[b])

            @pl.loop(start, endc)
            def _drain(j):
                pltpu.make_async_copy(
                    buf.at[pl.ds(0, 1)], out_hbm.at[pl.ds(0, 1)], wsems[b]
                ).wait()

            @pl.when(c + 2 < nch)
            def _next_read():
                pltpu.async_copy(
                    table_hbm.at[pl.ds(lo + (c + 2) * _RB, _RB)], buf, rsems[b]
                )

            start = endc
        return start


def kernel(token_indices, table):
    B, T = token_indices.shape
    V, D = table.shape
    N = B * T

    mesh = plsc.VectorSubcoreMesh(
        core_axis_name="c",
        subcore_axis_name="s",
        num_cores=_NUM_CORES,
        num_subcores=_NUM_SUBCORES,
    )

    run = pl.kernel(
        functools.partial(_inv_kernel, N, V, D),
        out_type=jax.ShapeDtypeStruct((N, D), jnp.float32),
        mesh=mesh,
        compiler_params=pltpu.CompilerParams(needs_layout_passes=False),
        scratch_types=[
            pltpu.VMEM((N + 16,), jnp.int32),
            pltpu.VMEM((N + 32,), jnp.int32),
            pltpu.VMEM((N + 32,), jnp.int32),
            pltpu.VMEM((64,), jnp.int32),
            pltpu.VMEM((_RB, D), jnp.float32),
            pltpu.VMEM((_RB, D), jnp.float32),
            pltpu.SemaphoreType.DMA,
            pltpu.SemaphoreType.DMA,
            pltpu.SemaphoreType.DMA,
            pltpu.SemaphoreType.DMA,
        ],
    )
    out = run(token_indices.reshape(N), table)
    return out.reshape(B, T, D)

# --- scband reference (transcript-rebuilt; emitter-appended) ---
"""Pipeline reference for scband-bigram-language-model-72249939853620 (READ-ONLY COPY).

The authoritative reference and input builder live on the scoring server;
editing this copy changes nothing except your own understanding.
"""

import jax, jax.numpy as jnp
import numpy as np

VOCAB = 8192
B = 8
T = 2048


def setup_inputs(seed: int = 0) -> dict:
    key = jax.random.key(seed)
    k_idx, k_tab = jax.random.split(key)
    token_indices = jax.random.randint(k_idx, (B, T), 0, VOCAB, dtype=jnp.int32)
    # nn.Embedding(vocab_size, vocab_size) weight, N(0,1) init like torch default
    table = jax.random.normal(k_tab, (VOCAB, VOCAB), dtype=jnp.float32)
    return {"token_indices": token_indices, "table": table}


def reference(token_indices, table):
    # BigramLanguageModel.forward: logits = embedding_table[token_indices]
    # shape (B, T, C) with C == vocab_size
    return jnp.take(table, token_indices, axis=0)

if __name__ == "__main__":
    import jax
    _d = setup_inputs()
    print(jax.jit(kernel)(*tuple(_d.values())))

</pallas_src>

<mosaic_0001>
#map = affine_map<(d0, d1) -> (0)>
#map1 = affine_map<(d0, d1) -> (0, 0)>
module attributes {stable_mosaic.version = 14 : i64} {
  func.func @_inv_kernel(%arg0: i32, %arg1: i32, %arg2: memref<16384xi32, #tpu.memory_space<hbm>>, %arg3: memref<8192x8192xf32, #tpu.memory_space<hbm>>, %arg4: memref<16384x8192xf32, #tpu.memory_space<hbm>>, %arg5: memref<16400xi32, #tpu.memory_space<vmem>>, %arg6: memref<16416xi32, #tpu.memory_space<vmem>>, %arg7: memref<16416xi32, #tpu.memory_space<vmem>>, %arg8: memref<64xi32, #tpu.memory_space<vmem>>, %arg9: memref<4x8192xf32, #tpu.memory_space<vmem>>, %arg10: memref<4x8192xf32, #tpu.memory_space<vmem>>, %arg11: memref<!tpu.dma_semaphore, #tpu.memory_space<semaphore_mem>>, %arg12: memref<!tpu.dma_semaphore, #tpu.memory_space<semaphore_mem>>, %arg13: memref<!tpu.dma_semaphore, #tpu.memory_space<semaphore_mem>>, %arg14: memref<!tpu.dma_semaphore, #tpu.memory_space<semaphore_mem>>) attributes {dimension_semantics = [#tpu.dimension_semantics<core_parallel>, #tpu.dimension_semantics<subcore_parallel>], iteration_bounds = array<i64: 2, 16>, scalar_prefetch = 0 : i64, scratch_operands = 10 : i64, tpu.core_type = #tpu.core_type<sc_vector_subcore>, window_params = [{transform_indices = #map}, {transform_indices = #map1}, {transform_indices = #map1}]} {
    %mul3A = arith.constant 2 : i32
    %mul3A_0 = arith.muli %arg1, %mul3A : i32
    %add3A = arith.addi %mul3A_0, %arg0 : i32
    %mul3A_1 = arith.constant 256 : i32
    %mul3A_2 = arith.muli %add3A, %mul3A_1 : i32
    %iota3A = tpu.iota {dimensions = array<i32: 0>} : vector<16xi32>
    %eq3A = arith.constant 0 : i32
    %eq3A_3 = vector.broadcast %eq3A : i32 to vector<16xi32>
    %eq3A_4 = arith.cmpi eq, %iota3A, %eq3A_3 : vector<16xi32>
    %broadcast_in_dim3A = arith.constant 1 : i32
    %broadcast_in_dim3A_5 = vector.broadcast %broadcast_in_dim3A : i32 to vector<16xi32>
    "tpu.region"() ({
      %run_scoped3A = tpu.sem_alloc : memref<!tpu.dma_semaphore, #tpu.memory_space<semaphore_mem>>
      %dma_start3A_95 = arith.constant 0 : i32
      %dma_start3A_96 = tpu.memref_slice %arg5[%dma_start3A_95] : memref<16400xi32, #tpu.memory_space<vmem>> -> memref<16384xi32, #tpu.memory_space<vmem>>
      %dma_start3A_97 = arith.constant 0 : i32
      %dma_start3A_98 = tpu.memref_slice %arg5[%dma_start3A_97] : memref<16400xi32, #tpu.memory_space<vmem>> -> memref<16384xi32, #tpu.memory_space<vmem>>
      tpu.enqueue_dma source(%arg2 : memref<16384xi32, #tpu.memory_space<hbm>>) target(%dma_start3A_98 : memref<16384xi32, #tpu.memory_space<vmem>>) target_semaphore(%run_scoped3A : memref<!tpu.dma_semaphore, #tpu.memory_space<semaphore_mem>>)
      %dma_wait3A = arith.constant 0 : i32
      %dma_wait3A_99 = tpu.memref_slice %arg5[%dma_wait3A] : memref<16400xi32, #tpu.memory_space<vmem>> -> memref<16384xi32, #tpu.memory_space<vmem>>
      %dma_wait3A_100 = arith.constant 0 : i32
      %dma_wait3A_101 = tpu.memref_slice %arg5[%dma_wait3A_100] : memref<16400xi32, #tpu.memory_space<vmem>> -> memref<16384xi32, #tpu.memory_space<vmem>>
      tpu.wait_dma2 semaphore(%run_scoped3A : memref<!tpu.dma_semaphore, #tpu.memory_space<semaphore_mem>>) src(%arg2 : memref<16384xi32, #tpu.memory_space<hbm>>) dst(%dma_wait3A_101 : memref<16384xi32, #tpu.memory_space<vmem>>)
      tpu.yield
    }) : () -> ()
    %add3A_6 = arith.constant 0 : i32
    %add3A_7 = arith.addi %mul3A_2, %add3A_6 : i32
    %dma_start3A = arith.constant 0 : i32
    %dma_start3A_8 = tpu.memref_slice %arg3[%add3A_7, %dma_start3A] : memref<8192x8192xf32, #tpu.memory_space<hbm>> -> memref<4x8192xf32, #tpu.memory_space<hbm>>
    %dma_start3A_9 = arith.constant 0 : i32
    %dma_start3A_10 = tpu.memref_slice %arg3[%add3A_7, %dma_start3A_9] : memref<8192x8192xf32, #tpu.memory_space<hbm>> -> memref<4x8192xf32, #tpu.memory_space<hbm>>
    tpu.enqueue_dma source(%dma_start3A_10 : memref<4x8192xf32, #tpu.memory_space<hbm>>) target(%arg9 : memref<4x8192xf32, #tpu.memory_space<vmem>>) target_semaphore(%arg11 : memref<!tpu.dma_semaphore, #tpu.memory_space<semaphore_mem>>)
    %add3A_11 = arith.constant 4 : i32
    %add3A_12 = arith.addi %mul3A_2, %add3A_11 : i32
    %dma_start3A_13 = arith.constant 0 : i32
    %dma_start3A_14 = tpu.memref_slice %arg3[%add3A_12, %dma_start3A_13] : memref<8192x8192xf32, #tpu.memory_space<hbm>> -> memref<4x8192xf32, #tpu.memory_space<hbm>>
    %dma_start3A_15 = arith.constant 0 : i32
    %dma_start3A_16 = tpu.memref_slice %arg3[%add3A_12, %dma_start3A_15] : memref<8192x8192xf32, #tpu.memory_space<hbm>> -> memref<4x8192xf32, #tpu.memory_space<hbm>>
    tpu.enqueue_dma source(%dma_start3A_16 : memref<4x8192xf32, #tpu.memory_space<hbm>>) target(%arg10 : memref<4x8192xf32, #tpu.memory_space<vmem>>) target_semaphore(%arg12 : memref<!tpu.dma_semaphore, #tpu.memory_space<semaphore_mem>>)
    %scan3A = arith.constant 0 : i32
    %scan3A_17 = arith.constant 0 : i32
    %scan3A_18 = arith.constant 1024 : i32
    %scan3A_19 = arith.addi %scan3A_17, %scan3A_18 : i32
    %scan3A_20 = arith.constant 2 : i32
    %scan3A_21 = scf.for %scan3A_95 = %scan3A_17 to %scan3A_19 step %scan3A_20 iter_args(%scan3A_96 = %scan3A) -> (i32)  : i32 {
      %mul3A_97 = arith.constant 1 : i32
      %mul3A_98 = arith.muli %scan3A_95, %mul3A_97 : i32
      %add3A_99 = arith.constant 0 : i32
      %add3A_100 = arith.addi %add3A_99, %mul3A_98 : i32
      %mul3A_101 = arith.constant 16 : i32
      %mul3A_102 = arith.muli %add3A_100, %mul3A_101 : i32
      %get3A = arith.index_cast %mul3A_102 : i32 to index
      %get3A_103 = tpu.vector_load %arg5[%get3A] {strides = array<i32>} : memref<16400xi32, #tpu.memory_space<vmem>>, vector<16xi32>,
      %ge3A = vector.broadcast %mul3A_2 : i32 to vector<16xi32>
      %ge3A_104 = arith.cmpi sge, %get3A_103, %ge3A : vector<16xi32>
      %add3A_105 = arith.constant 256 : i32
      %add3A_106 = arith.addi %mul3A_2, %add3A_105 : i32
      %lt3A = vector.broadcast %add3A_106 : i32 to vector<16xi32>
      %lt3A_107 = arith.cmpi slt, %get3A_103, %lt3A : vector<16xi32>
      %and3A_108 = arith.andi %ge3A_104, %lt3A_107 : vector<16xi1>
      %mul3A_109 = arith.constant 16384 : i32
      %mul3A_110 = vector.broadcast %mul3A_109 : i32 to vector<16xi32>
      %mul3A_111 = arith.muli %get3A_103, %mul3A_110 : vector<16xi32>
      %mul3A_112 = arith.constant 16 : i32
      %mul3A_113 = arith.muli %add3A_100, %mul3A_112 : i32
      %add3A_114 = vector.broadcast %mul3A_113 : i32 to vector<16xi32>
      %add3A_115 = arith.addi %iota3A, %add3A_114 : vector<16xi32>
      %add3A_116 = arith.addi %mul3A_111, %add3A_115 : vector<16xi32>
      %convert_element_type3A = arith.extui %and3A_108 : vector<16xi1> to vector<16xi32>
      %broadcast_in_dim3A_117 = arith.constant true
      %broadcast_in_dim3A_118 = vector.broadcast %broadcast_in_dim3A_117 : i1 to vector<16xi1>
      %masked_cumsum3A = tpu.scan <sum>, %convert_element_type3A masked %broadcast_in_dim3A_118 : vector<16xi32>, vector<16xi1> -> vector<16xi32>
      %add3A_119 = vector.broadcast %scan3A_96 : i32 to vector<16xi32>
      %add3A_120 = arith.addi %add3A_119, %masked_cumsum3A : vector<16xi32>
      %sub3A_121 = arith.constant 1 : i32
      %sub3A_122 = vector.broadcast %sub3A_121 : i32 to vector<16xi32>
      %sub3A_123 = arith.subi %add3A_120, %sub3A_122 : vector<16xi32>
      tpu.vector_store_idx %arg6[%sub3A_123], %add3A_116 masked %and3A_108 : memref<16416xi32, #tpu.memory_space<vmem>>[vector<16xi32>], vector<16xi32>, vector<16xi1>
      %slice3A = vector.extract_strided_slice %masked_cumsum3A {offsets = [15], sizes = [1], strides = [1]} : vector<16xi32> to vector<1xi32>
      %squeeze3A = vector.extract %slice3A[0] : i32 from vector<1xi32>
      %add3A_124 = arith.addi %scan3A_96, %squeeze3A : i32
      %scan3A_125 = arith.constant 1 : i32
      %scan3A_126 = arith.addi %scan3A_95, %scan3A_125 : i32
      %mul3A_127 = arith.constant 1 : i32
      %mul3A_128 = arith.muli %scan3A_126, %mul3A_127 : i32
      %add3A_129 = arith.constant 0 : i32
      %add3A_130 = arith.addi %add3A_129, %mul3A_128 : i32
      %mul3A_131 = arith.constant 16 : i32
      %mul3A_132 = arith.muli %add3A_130, %mul3A_131 : i32
      %get3A_133 = arith.index_cast %mul3A_132 : i32 to index
      %get3A_134 = tpu.vector_load %arg5[%get3A_133] {strides = array<i32>} : memref<16400xi32, #tpu.memory_space<vmem>>, vector<16xi32>,
      %ge3A_135 = vector.broadcast %mul3A_2 : i32 to vector<16xi32>
      %ge3A_136 = arith.cmpi sge, %get3A_134, %ge3A_135 : vector<16xi32>
      %add3A_137 = arith.constant 256 : i32
      %add3A_138 = arith.addi %mul3A_2, %add3A_137 : i32
      %lt3A_139 = vector.broadcast %add3A_138 : i32 to vector<16xi32>
      %lt3A_140 = arith.cmpi slt, %get3A_134, %lt3A_139 : vector<16xi32>
      %and3A_141 = arith.andi %ge3A_136, %lt3A_140 : vector<16xi1>
      %mul3A_142 = arith.constant 16384 : i32
      %mul3A_143 = vector.broadcast %mul3A_142 : i32 to vector<16xi32>
      %mul3A_144 = arith.muli %get3A_134, %mul3A_143 : vector<16xi32>
      %mul3A_145 = arith.constant 16 : i32
      %mul3A_146 = arith.muli %add3A_130, %mul3A_145 : i32
      %add3A_147 = vector.broadcast %mul3A_146 : i32 to vector<16xi32>
      %add3A_148 = arith.addi %iota3A, %add3A_147 : vector<16xi32>
      %add3A_149 = arith.addi %mul3A_144, %add3A_148 : vector<16xi32>
      %convert_element_type3A_150 = arith.extui %and3A_141 : vector<16xi1> to vector<16xi32>
      %broadcast_in_dim3A_151 = arith.constant true
      %broadcast_in_dim3A_152 = vector.broadcast %broadcast_in_dim3A_151 : i1 to vector<16xi1>
      %masked_cumsum3A_153 = tpu.scan <sum>, %convert_element_type3A_150 masked %broadcast_in_dim3A_152 : vector<16xi32>, vector<16xi1> -> vector<16xi32>
      %add3A_154 = vector.broadcast %add3A_124 : i32 to vector<16xi32>
      %add3A_155 = arith.addi %add3A_154, %masked_cumsum3A_153 : vector<16xi32>
      %sub3A_156 = arith.constant 1 : i32
      %sub3A_157 = vector.broadcast %sub3A_156 : i32 to vector<16xi32>
      %sub3A_158 = arith.subi %add3A_155, %sub3A_157 : vector<16xi32>
      tpu.vector_store_idx %arg6[%sub3A_158], %add3A_149 masked %and3A_141 : memref<16416xi32, #tpu.memory_space<vmem>>[vector<16xi32>], vector<16xi32>, vector<16xi1>
      %slice3A_159 = vector.extract_strided_slice %masked_cumsum3A_153 {offsets = [15], sizes = [1], strides = [1]} : vector<16xi32> to vector<1xi32>
      %squeeze3A_160 = vector.extract %slice3A_159[0] : i32 from vector<1xi32>
      %add3A_161 = arith.addi %add3A_124, %squeeze3A_160 : i32
      scf.yield %add3A_161 : i32
    }
    %scan3A_22 = arith.constant 1024 : i32
    %scan3A_23 = arith.constant 0 : i32
    %scan3A_24 = arith.constant 4 : i32
    %scan3A_25 = arith.addi %scan3A_23, %scan3A_24 : i32
    %scan3A_26 = arith.constant 1 : i32
    scf.for %scan3A_95 = %scan3A_23 to %scan3A_25 step %scan3A_26  : i32 {
      %mul3A_96 = arith.constant 1 : i32
      %mul3A_97 = arith.muli %scan3A_95, %mul3A_96 : i32
      %add3A_98 = arith.constant 0 : i32
      %add3A_99 = arith.addi %add3A_98, %mul3A_97 : i32
      %broadcast_in_dim3A_100 = arith.constant 0 : i32
      %broadcast_in_dim3A_101 = vector.broadcast %broadcast_in_dim3A_100 : i32 to vector<16xi32>
      %mul3A_102 = arith.constant 16 : i32
      %mul3A_103 = arith.muli %add3A_99, %mul3A_102 : i32
      %swap3A = arith.index_cast %mul3A_103 : i32 to index
      %swap3A_104 = tpu.vector_load %arg8[%swap3A] {strides = array<i32>} : memref<64xi32, #tpu.memory_space<vmem>>, vector<16xi32>,
      tpu.vector_store %arg8[%swap3A], %broadcast_in_dim3A_101 {strides = array<i32>} : memref<64xi32, #tpu.memory_space<vmem>>, vector<16xi32>,
    }
    %scan3A_27 = arith.constant 4 : i32
    %add3A_28 = arith.constant 15 : i32
    %add3A_29 = arith.addi %scan3A_21, %add3A_28 : i32
    %jit3A = arith.constant 16 : i32
    %div3A = arith.divsi %add3A_29, %jit3A : i32
    %sign3A = arith.constant 0 : i32
    %sign3A_30 = arith.cmpi sgt, %add3A_29, %sign3A : i32
    %sign3A_31 = arith.extui %sign3A_30 : i1 to i32
    %sign3A_32 = arith.constant 0 : i32
    %sign3A_33 = arith.cmpi slt, %add3A_29, %sign3A_32 : i32
    %sign3A_34 = arith.extui %sign3A_33 : i1 to i32
    %sign3A_35 = arith.subi %sign3A_31, %sign3A_34 : i32
    %sign3A_36 = arith.constant 0 : i32
    %sign3A_37 = arith.cmpi sgt, %jit3A, %sign3A_36 : i32
    %sign3A_38 = arith.extui %sign3A_37 : i1 to i32
    %sign3A_39 = arith.constant 0 : i32
    %sign3A_40 = arith.cmpi slt, %jit3A, %sign3A_39 : i32
    %sign3A_41 = arith.extui %sign3A_40 : i1 to i32
    %sign3A_42 = arith.subi %sign3A_38, %sign3A_41 : i32
    %ne3A = arith.cmpi ne, %sign3A_35, %sign3A_42 : i32
    %rem3A = arith.remsi %add3A_29, %jit3A : i32
    %ne3A_43 = arith.constant 0 : i32
    %ne3A_44 = arith.cmpi ne, %rem3A, %ne3A_43 : i32
    %and3A = arith.andi %ne3A, %ne3A_44 : i1
    %sub3A = arith.constant 1 : i32
    %sub3A_45 = arith.subi %div3A, %sub3A : i32
    %select_n3A = arith.select %and3A, %sub3A_45, %div3A : i32
    %sub3A_46 = arith.constant 0 : i32
    %sub3A_47 = arith.subi %select_n3A, %sub3A_46 : i32
    %sub3A_48 = arith.constant 1 : i32
    %sub3A_49 = arith.constant 1 : i32
    %sub3A_50 = arith.subi %sub3A_48, %sub3A_49 : i32
    %add3A_51 = arith.addi %sub3A_47, %sub3A_50 : i32
    %div3A_52 = arith.constant 1 : i32
    %div3A_53 = arith.divsi %add3A_51, %div3A_52 : i32
    %while3A = arith.constant 1 : i32
    %while3A_54 = arith.constant 0 : i32
    %while3A_55 = arith.constant 0 : i32
    %while3A_56 = arith.subi %div3A_53, %while3A_55 : i32
    %while3A_57 = arith.addi %while3A_55, %while3A_56 : i32
    %while3A_58 = arith.constant 1 : i32
    %while3A_59 = arith.divsi %while3A_56, %while3A_58 : i32
    %while3A_60 = arith.muli %while3A_59, %while3A_58 : i32
    %while3A_61 = arith.addi %while3A_55, %while3A_60 : i32
    %while3A_62 = arith.constant 1 : i32
    scf.for %while3A_95 = %while3A_55 to %while3A_61 step %while3A_62  : i32 {
      %mul3A_96 = arith.muli %while3A_95, %while3A : i32
      %add3A_97 = arith.addi %while3A_54, %mul3A_96 : i32
      %mul3A_98 = arith.constant 16 : i32
      %mul3A_99 = arith.muli %add3A_97, %mul3A_98 : i32
      %add3A_100 = vector.broadcast %mul3A_99 : i32 to vector<16xi32>
      %add3A_101 = arith.addi %add3A_100, %iota3A : vector<16xi32>
      %lt3A = vector.broadcast %scan3A_21 : i32 to vector<16xi32>
      %lt3A_102 = arith.cmpi slt, %add3A_101, %lt3A : vector<16xi32>
      %mul3A_103 = arith.constant 16 : i32
      %mul3A_104 = arith.muli %add3A_97, %mul3A_103 : i32
      %get3A = arith.index_cast %mul3A_104 : i32 to index
      %get3A_105 = tpu.vector_load %arg6[%get3A] {strides = array<i32>} : memref<16416xi32, #tpu.memory_space<vmem>>, vector<16xi32>,
      %jit3A_106 = arith.constant 16384 : i32
      %div3A_107 = vector.broadcast %jit3A_106 : i32 to vector<16xi32>
      %div3A_108 = arith.divsi %get3A_105, %div3A_107 : vector<16xi32>
      %sign3A_109 = arith.constant 0 : i32
      %sign3A_110 = vector.broadcast %sign3A_109 : i32 to vector<16xi32>
      %sign3A_111 = arith.cmpi sgt, %get3A_105, %sign3A_110 : vector<16xi32>
      %sign3A_112 = arith.extui %sign3A_111 : vector<16xi1> to vector<16xi32>
      %sign3A_113 = arith.constant 0 : i32
      %sign3A_114 = vector.broadcast %sign3A_113 : i32 to vector<16xi32>
      %sign3A_115 = arith.cmpi slt, %get3A_105, %sign3A_114 : vector<16xi32>
      %sign3A_116 = arith.extui %sign3A_115 : vector<16xi1> to vector<16xi32>
      %sign3A_117 = arith.subi %sign3A_112, %sign3A_116 : vector<16xi32>
      %sign3A_118 = arith.constant 0 : i32
      %sign3A_119 = arith.cmpi sgt, %jit3A_106, %sign3A_118 : i32
      %sign3A_120 = arith.extui %sign3A_119 : i1 to i32
      %sign3A_121 = arith.constant 0 : i32
      %sign3A_122 = arith.cmpi slt, %jit3A_106, %sign3A_121 : i32
      %sign3A_123 = arith.extui %sign3A_122 : i1 to i32
      %sign3A_124 = arith.subi %sign3A_120, %sign3A_123 : i32
      %ne3A_125 = vector.broadcast %sign3A_124 : i32 to vector<16xi32>
      %ne3A_126 = arith.cmpi ne, %sign3A_117, %ne3A_125 : vector<16xi32>
      %rem3A_127 = vector.broadcast %jit3A_106 : i32 to vector<16xi32>
      %rem3A_128 = arith.remsi %get3A_105, %rem3A_127 : vector<16xi32>
      %ne3A_129 = arith.constant 0 : i32
      %ne3A_130 = vector.broadcast %ne3A_129 : i32 to vector<16xi32>
      %ne3A_131 = arith.cmpi ne, %rem3A_128, %ne3A_130 : vector<16xi32>
      %and3A_132 = arith.andi %ne3A_126, %ne3A_131 : vector<16xi1>
      %sub3A_133 = arith.constant 1 : i32
      %sub3A_134 = vector.broadcast %sub3A_133 : i32 to vector<16xi32>
      %sub3A_135 = arith.subi %div3A_108, %sub3A_134 : vector<16xi32>
      %select_n3A_136 = arith.select %and3A_132, %sub3A_135, %div3A_108 : vector<16xi1>, vector<16xi32>
      %sub3A_137 = vector.broadcast %mul3A_2 : i32 to vector<16xi32>
      %sub3A_138 = arith.subi %select_n3A_136, %sub3A_137 : vector<16xi32>
      %jit3A_139 = arith.constant 4 : i32
      %div3A_140 = vector.broadcast %jit3A_139 : i32 to vector<16xi32>
      %div3A_141 = arith.divsi %sub3A_138, %div3A_140 : vector<16xi32>
      %sign3A_142 = arith.constant 0 : i32
      %sign3A_143 = vector.broadcast %sign3A_142 : i32 to vector<16xi32>
      %sign3A_144 = arith.cmpi sgt, %sub3A_138, %sign3A_143 : vector<16xi32>
      %sign3A_145 = arith.extui %sign3A_144 : vector<16xi1> to vector<16xi32>
      %sign3A_146 = arith.constant 0 : i32
      %sign3A_147 = vector.broadcast %sign3A_146 : i32 to vector<16xi32>
      %sign3A_148 = arith.cmpi slt, %sub3A_138, %sign3A_147 : vector<16xi32>
      %sign3A_149 = arith.extui %sign3A_148 : vector<16xi1> to vector<16xi32>
      %sign3A_150 = arith.subi %sign3A_145, %sign3A_149 : vector<16xi32>
      %sign3A_151 = arith.constant 0 : i32
      %sign3A_152 = arith.cmpi sgt, %jit3A_139, %sign3A_151 : i32
      %sign3A_153 = arith.extui %sign3A_152 : i1 to i32
      %sign3A_154 = arith.constant 0 : i32
      %sign3A_155 = arith.cmpi slt, %jit3A_139, %sign3A_154 : i32
      %sign3A_156 = arith.extui %sign3A_155 : i1 to i32
      %sign3A_157 = arith.subi %sign3A_153, %sign3A_156 : i32
      %ne3A_158 = vector.broadcast %sign3A_157 : i32 to vector<16xi32>
      %ne3A_159 = arith.cmpi ne, %sign3A_150, %ne3A_158 : vector<16xi32>
      %rem3A_160 = vector.broadcast %jit3A_139 : i32 to vector<16xi32>
      %rem3A_161 = arith.remsi %sub3A_138, %rem3A_160 : vector<16xi32>
      %ne3A_162 = arith.constant 0 : i32
      %ne3A_163 = vector.broadcast %ne3A_162 : i32 to vector<16xi32>
      %ne3A_164 = arith.cmpi ne, %rem3A_161, %ne3A_163 : vector<16xi32>
      %and3A_165 = arith.andi %ne3A_159, %ne3A_164 : vector<16xi1>
      %sub3A_166 = arith.constant 1 : i32
      %sub3A_167 = vector.broadcast %sub3A_166 : i32 to vector<16xi32>
      %sub3A_168 = arith.subi %div3A_141, %sub3A_167 : vector<16xi32>
      %select_n3A_169 = arith.select %and3A_165, %sub3A_168, %div3A_141 : vector<16xi1>, vector<16xi32>
      %add3A_170 = arith.constant 1 : i32
      %add3A_171 = vector.broadcast %add3A_170 : i32 to vector<16xi32>
      %add3A_172 = arith.addi %select_n3A_169, %add3A_171 : vector<16xi32>
      %jit3A_173 = arith.constant 63 : i32
      %broadcast_in_dim3A_174 = vector.broadcast %jit3A_173 : i32 to vector<16xi32>
      %select_n3A_175 = arith.select %lt3A_102, %add3A_172, %broadcast_in_dim3A_174 : vector<16xi1>, vector<16xi32>
      tpu.vector_store_idx %arg8[%select_n3A_175], %broadcast_in_dim3A_5 masked %lt3A_102 {add = true} : memref<64xi32, #tpu.memory_space<vmem>>[vector<16xi32>], vector<16xi32>, vector<16xi1>
    }
    %while3A_63 = arith.constant 1 : i32
    scf.for %while3A_95 = %while3A_61 to %while3A_57 step %while3A_63  : i32 {
      %mul3A_96 = arith.muli %while3A_95, %while3A : i32
      %add3A_97 = arith.addi %while3A_54, %mul3A_96 : i32
      %mul3A_98 = arith.constant 16 : i32
      %mul3A_99 = arith.muli %add3A_97, %mul3A_98 : i32
      %add3A_100 = vector.broadcast %mul3A_99 : i32 to vector<16xi32>
      %add3A_101 = arith.addi %add3A_100, %iota3A : vector<16xi32>
      %lt3A = vector.broadcast %scan3A_21 : i32 to vector<16xi32>
      %lt3A_102 = arith.cmpi slt, %add3A_101, %lt3A : vector<16xi32>
      %mul3A_103 = arith.constant 16 : i32
      %mul3A_104 = arith.muli %add3A_97, %mul3A_103 : i32
      %get3A = arith.index_cast %mul3A_104 : i32 to index
      %get3A_105 = tpu.vector_load %arg6[%get3A] {strides = array<i32>} : memref<16416xi32, #tpu.memory_space<vmem>>, vector<16xi32>,
      %jit3A_106 = arith.constant 16384 : i32
      %div3A_107 = vector.broadcast %jit3A_106 : i32 to vector<16xi32>
      %div3A_108 = arith.divsi %get3A_105, %div3A_107 : vector<16xi32>
      %sign3A_109 = arith.constant 0 : i32
      %sign3A_110 = vector.broadcast %sign3A_109 : i32 to vector<16xi32>
      %sign3A_111 = arith.cmpi sgt, %get3A_105, %sign3A_110 : vector<16xi32>
      %sign3A_112 = arith.extui %sign3A_111 : vector<16xi1> to vector<16xi32>
      %sign3A_113 = arith.constant 0 : i32
      %sign3A_114 = vector.broadcast %sign3A_113 : i32 to vector<16xi32>
      %sign3A_115 = arith.cmpi slt, %get3A_105, %sign3A_114 : vector<16xi32>
      %sign3A_116 = arith.extui %sign3A_115 : vector<16xi1> to vector<16xi32>
      %sign3A_117 = arith.subi %sign3A_112, %sign3A_116 : vector<16xi32>
      %sign3A_118 = arith.constant 0 : i32
      %sign3A_119 = arith.cmpi sgt, %jit3A_106, %sign3A_118 : i32
      %sign3A_120 = arith.extui %sign3A_119 : i1 to i32
      %sign3A_121 = arith.constant 0 : i32
      %sign3A_122 = arith.cmpi slt, %jit3A_106, %sign3A_121 : i32
      %sign3A_123 = arith.extui %sign3A_122 : i1 to i32
      %sign3A_124 = arith.subi %sign3A_120, %sign3A_123 : i32
      %ne3A_125 = vector.broadcast %sign3A_124 : i32 to vector<16xi32>
      %ne3A_126 = arith.cmpi ne, %sign3A_117, %ne3A_125 : vector<16xi32>
      %rem3A_127 = vector.broadcast %jit3A_106 : i32 to vector<16xi32>
      %rem3A_128 = arith.remsi %get3A_105, %rem3A_127 : vector<16xi32>
      %ne3A_129 = arith.constant 0 : i32
      %ne3A_130 = vector.broadcast %ne3A_129 : i32 to vector<16xi32>
      %ne3A_131 = arith.cmpi ne, %rem3A_128, %ne3A_130 : vector<16xi32>
      %and3A_132 = arith.andi %ne3A_126, %ne3A_131 : vector<16xi1>
      %sub3A_133 = arith.constant 1 : i32
      %sub3A_134 = vector.broadcast %sub3A_133 : i32 to vector<16xi32>
      %sub3A_135 = arith.subi %div3A_108, %sub3A_134 : vector<16xi32>
      %select_n3A_136 = arith.select %and3A_132, %sub3A_135, %div3A_108 : vector<16xi1>, vector<16xi32>
      %sub3A_137 = vector.broadcast %mul3A_2 : i32 to vector<16xi32>
      %sub3A_138 = arith.subi %select_n3A_136, %sub3A_137 : vector<16xi32>
      %jit3A_139 = arith.constant 4 : i32
      %div3A_140 = vector.broadcast %jit3A_139 : i32 to vector<16xi32>
      %div3A_141 = arith.divsi %sub3A_138, %div3A_140 : vector<16xi32>
      %sign3A_142 = arith.constant 0 : i32
      %sign3A_143 = vector.broadcast %sign3A_142 : i32 to vector<16xi32>
      %sign3A_144 = arith.cmpi sgt, %sub3A_138, %sign3A_143 : vector<16xi32>
      %sign3A_145 = arith.extui %sign3A_144 : vector<16xi1> to vector<16xi32>
      %sign3A_146 = arith.constant 0 : i32
      %sign3A_147 = vector.broadcast %sign3A_146 : i32 to vector<16xi32>
      %sign3A_148 = arith.cmpi slt, %sub3A_138, %sign3A_147 : vector<16xi32>
      %sign3A_149 = arith.extui %sign3A_148 : vector<16xi1> to vector<16xi32>
      %sign3A_150 = arith.subi %sign3A_145, %sign3A_149 : vector<16xi32>
      %sign3A_151 = arith.constant 0 : i32
      %sign3A_152 = arith.cmpi sgt, %jit3A_139, %sign3A_151 : i32
      %sign3A_153 = arith.extui %sign3A_152 : i1 to i32
      %sign3A_154 = arith.constant 0 : i32
      %sign3A_155 = arith.cmpi slt, %jit3A_139, %sign3A_154 : i32
      %sign3A_156 = arith.extui %sign3A_155 : i1 to i32
      %sign3A_157 = arith.subi %sign3A_153, %sign3A_156 : i32
      %ne3A_158 = vector.broadcast %sign3A_157 : i32 to vector<16xi32>
      %ne3A_159 = arith.cmpi ne, %sign3A_150, %ne3A_158 : vector<16xi32>
      %rem3A_160 = vector.broadcast %jit3A_139 : i32 to vector<16xi32>
      %rem3A_161 = arith.remsi %sub3A_138, %rem3A_160 : vector<16xi32>
      %ne3A_162 = arith.constant 0 : i32
      %ne3A_163 = vector.broadcast %ne3A_162 : i32 to vector<16xi32>
      %ne3A_164 = arith.cmpi ne, %rem3A_161, %ne3A_163 : vector<16xi32>
      %and3A_165 = arith.andi %ne3A_159, %ne3A_164 : vector<16xi1>
      %sub3A_166 = arith.constant 1 : i32
      %sub3A_167 = vector.broadcast %sub3A_166 : i32 to vector<16xi32>
      %sub3A_168 = arith.subi %div3A_141, %sub3A_167 : vector<16xi32>
      %select_n3A_169 = arith.select %and3A_165, %sub3A_168, %div3A_141 : vector<16xi1>, vector<16xi32>
      %add3A_170 = arith.constant 1 : i32
      %add3A_171 = vector.broadcast %add3A_170 : i32 to vector<16xi32>
      %add3A_172 = arith.addi %select_n3A_169, %add3A_171 : vector<16xi32>
      %jit3A_173 = arith.constant 63 : i32
      %broadcast_in_dim3A_174 = vector.broadcast %jit3A_173 : i32 to vector<16xi32>
      %select_n3A_175 = arith.select %lt3A_102, %add3A_172, %broadcast_in_dim3A_174 : vector<16xi1>, vector<16xi32>
      tpu.vector_store_idx %arg8[%select_n3A_175], %broadcast_in_dim3A_5 masked %lt3A_102 {add = true} : memref<64xi32, #tpu.memory_space<vmem>>[vector<16xi32>], vector<16xi32>, vector<16xi1>
    }
    %scan3A_64 = arith.constant 0 : i32
    %scan3A_65 = arith.constant 64 : i32
    %scan3A_66 = arith.addi %scan3A_64, %scan3A_65 : i32
    %scan3A_67 = arith.constant 1 : i32
    scf.for %scan3A_95 = %scan3A_64 to %scan3A_66 step %scan3A_67  : i32 {
      %mul3A_96 = arith.constant 1 : i32
      %mul3A_97 = arith.muli %scan3A_95, %mul3A_96 : i32
      %add3A_98 = arith.constant 0 : i32
      %add3A_99 = arith.addi %add3A_98, %mul3A_97 : i32
      %get3A = arith.index_cast %add3A_99 : i32 to index
      %get3A_100 = tpu.vector_load %arg8[%get3A] {strides = array<i32>} : memref<64xi32, #tpu.memory_space<vmem>>, vector<16xi32>,
      %add3A_101 = arith.constant 1 : i32
      %add3A_102 = arith.addi %add3A_99, %add3A_101 : i32
      %get3A_103 = arith.index_cast %add3A_102 : i32 to index
      %get3A_104 = tpu.vector_load %arg8[%get3A_103] {strides = array<i32>} : memref<64xi32, #tpu.memory_space<vmem>>, vector<16xi32>,
      %add3A_105 = arith.constant 1 : i32
      %add3A_106 = arith.addi %add3A_99, %add3A_105 : i32
      %slice3A = vector.extract_strided_slice %get3A_100 {offsets = [0], sizes = [1], strides = [1]} : vector<16xi32> to vector<1xi32>
      %squeeze3A = vector.extract %slice3A[0] : i32 from vector<1xi32>
      %add3A_107 = vector.broadcast %squeeze3A : i32 to vector<16xi32>
      %add3A_108 = arith.addi %get3A_104, %add3A_107 : vector<16xi32>
      %broadcast_in_dim3A_109 = vector.broadcast %add3A_106 : i32 to vector<16xi32>
      tpu.vector_store_idx %arg8[%broadcast_in_dim3A_109], %add3A_108 masked %eq3A_4 : memref<64xi32, #tpu.memory_space<vmem>>[vector<16xi32>], vector<16xi32>, vector<16xi1>
    }
    %scan3A_68 = arith.constant 64 : i32
    %sub3A_69 = arith.constant 0 : i32
    %sub3A_70 = arith.subi %scan3A_21, %sub3A_69 : i32
    %sub3A_71 = arith.constant 1 : i32
    %sub3A_72 = arith.constant 1 : i32
    %sub3A_73 = arith.subi %sub3A_71, %sub3A_72 : i32
    %add3A_74 = arith.addi %sub3A_70, %sub3A_73 : i32
    %div3A_75 = arith.constant 1 : i32
    %div3A_76 = arith.divsi %add3A_74, %div3A_75 : i32
    %while3A_77 = arith.constant 1 : i32
    %while3A_78 = arith.constant 0 : i32
    %while3A_79 = arith.constant 0 : i32
    %while3A_80 = arith.subi %div3A_76, %while3A_79 : i32
    %while3A_81 = arith.addi %while3A_79, %while3A_80 : i32
    %while3A_82 = arith.constant 1 : i32
    %while3A_83 = arith.divsi %while3A_80, %while3A_82 : i32
    %while3A_84 = arith.muli %while3A_83, %while3A_82 : i32
    %while3A_85 = arith.addi %while3A_79, %while3A_84 : i32
    %while3A_86 = arith.constant 1 : i32
    scf.for %while3A_95 = %while3A_79 to %while3A_85 step %while3A_86  : i32 {
      %mul3A_96 = arith.muli %while3A_95, %while3A_77 : i32
      %add3A_97 = arith.addi %while3A_78, %mul3A_96 : i32
      %get3A = arith.index_cast %add3A_97 : i32 to index
      %get3A_98 = tpu.vector_load %arg6[%get3A] {strides = array<i32>} : memref<16416xi32, #tpu.memory_space<vmem>>, vector<16xi32>,
      %slice3A = vector.extract_strided_slice %get3A_98 {offsets = [0], sizes = [1], strides = [1]} : vector<16xi32> to vector<1xi32>
      %squeeze3A = vector.extract %slice3A[0] : i32 from vector<1xi32>
      %jit3A_99 = arith.constant 16384 : i32
      %div3A_100 = arith.divsi %squeeze3A, %jit3A_99 : i32
      %sign3A_101 = arith.constant 0 : i32
      %sign3A_102 = arith.cmpi sgt, %squeeze3A, %sign3A_101 : i32
      %sign3A_103 = arith.extui %sign3A_102 : i1 to i32
      %sign3A_104 = arith.constant 0 : i32
      %sign3A_105 = arith.cmpi slt, %squeeze3A, %sign3A_104 : i32
      %sign3A_106 = arith.extui %sign3A_105 : i1 to i32
      %sign3A_107 = arith.subi %sign3A_103, %sign3A_106 : i32
      %sign3A_108 = arith.constant 0 : i32
      %sign3A_109 = arith.cmpi sgt, %jit3A_99, %sign3A_108 : i32
      %sign3A_110 = arith.extui %sign3A_109 : i1 to i32
      %sign3A_111 = arith.constant 0 : i32
      %sign3A_112 = arith.cmpi slt, %jit3A_99, %sign3A_111 : i32
      %sign3A_113 = arith.extui %sign3A_112 : i1 to i32
      %sign3A_114 = arith.subi %sign3A_110, %sign3A_113 : i32
      %ne3A_115 = arith.cmpi ne, %sign3A_107, %sign3A_114 : i32
      %rem3A_116 = arith.remsi %squeeze3A, %jit3A_99 : i32
      %ne3A_117 = arith.constant 0 : i32
      %ne3A_118 = arith.cmpi ne, %rem3A_116, %ne3A_117 : i32
      %and3A_119 = arith.andi %ne3A_115, %ne3A_118 : i1
      %sub3A_120 = arith.constant 1 : i32
      %sub3A_121 = arith.subi %div3A_100, %sub3A_120 : i32
      %select_n3A_122 = arith.select %and3A_119, %sub3A_121, %div3A_100 : i32
      %sub3A_123 = arith.subi %select_n3A_122, %mul3A_2 : i32
      %jit3A_124 = arith.constant 4 : i32
      %div3A_125 = arith.divsi %sub3A_123, %jit3A_124 : i32
      %sign3A_126 = arith.constant 0 : i32
      %sign3A_127 = arith.cmpi sgt, %sub3A_123, %sign3A_126 : i32
      %sign3A_128 = arith.extui %sign3A_127 : i1 to i32
      %sign3A_129 = arith.constant 0 : i32
      %sign3A_130 = arith.cmpi slt, %sub3A_123, %sign3A_129 : i32
      %sign3A_131 = arith.extui %sign3A_130 : i1 to i32
      %sign3A_132 = arith.subi %sign3A_128, %sign3A_131 : i32
      %sign3A_133 = arith.constant 0 : i32
      %sign3A_134 = arith.cmpi sgt, %jit3A_124, %sign3A_133 : i32
      %sign3A_135 = arith.extui %sign3A_134 : i1 to i32
      %sign3A_136 = arith.constant 0 : i32
      %sign3A_137 = arith.cmpi slt, %jit3A_124, %sign3A_136 : i32
      %sign3A_138 = arith.extui %sign3A_137 : i1 to i32
      %sign3A_139 = arith.subi %sign3A_135, %sign3A_138 : i32
      %ne3A_140 = arith.cmpi ne, %sign3A_132, %sign3A_139 : i32
      %rem3A_141 = arith.remsi %sub3A_123, %jit3A_124 : i32
      %ne3A_142 = arith.constant 0 : i32
      %ne3A_143 = arith.cmpi ne, %rem3A_141, %ne3A_142 : i32
      %and3A_144 = arith.andi %ne3A_140, %ne3A_143 : i1
      %sub3A_145 = arith.constant 1 : i32
      %sub3A_146 = arith.subi %div3A_125, %sub3A_145 : i32
      %select_n3A_147 = arith.select %and3A_144, %sub3A_146, %div3A_125 : i32
      %get3A_148 = arith.index_cast %select_n3A_147 : i32 to index
      %get3A_149 = tpu.vector_load %arg8[%get3A_148] {strides = array<i32>} : memref<64xi32, #tpu.memory_space<vmem>>, vector<16xi32>,
      %slice3A_150 = vector.extract_strided_slice %get3A_149 {offsets = [0], sizes = [1], strides = [1]} : vector<16xi32> to vector<1xi32>
      %squeeze3A_151 = vector.extract %slice3A_150[0] : i32 from vector<1xi32>
      %broadcast_in_dim3A_152 = vector.broadcast %squeeze3A_151 : i32 to vector<16xi32>
      tpu.vector_store_idx %arg7[%broadcast_in_dim3A_152], %get3A_98 masked %eq3A_4 : memref<16416xi32, #tpu.memory_space<vmem>>[vector<16xi32>], vector<16xi32>, vector<16xi1>
      %add3A_153 = arith.constant 1 : i32
      %add3A_154 = vector.broadcast %add3A_153 : i32 to vector<16xi32>
      %add3A_155 = arith.addi %get3A_149, %add3A_154 : vector<16xi32>
      %broadcast_in_dim3A_156 = vector.broadcast %select_n3A_147 : i32 to vector<16xi32>
      tpu.vector_store_idx %arg8[%broadcast_in_dim3A_156], %add3A_155 masked %eq3A_4 : memref<64xi32, #tpu.memory_space<vmem>>[vector<16xi32>], vector<16xi32>, vector<16xi1>
    }
    %while3A_87 = arith.constant 1 : i32
    scf.for %while3A_95 = %while3A_85 to %while3A_81 step %while3A_87  : i32 {
      %mul3A_96 = arith.muli %while3A_95, %while3A_77 : i32
      %add3A_97 = arith.addi %while3A_78, %mul3A_96 : i32
      %get3A = arith.index_cast %add3A_97 : i32 to index
      %get3A_98 = tpu.vector_load %arg6[%get3A] {strides = array<i32>} : memref<16416xi32, #tpu.memory_space<vmem>>, vector<16xi32>,
      %slice3A = vector.extract_strided_slice %get3A_98 {offsets = [0], sizes = [1], strides = [1]} : vector<16xi32> to vector<1xi32>
      %squeeze3A = vector.extract %slice3A[0] : i32 from vector<1xi32>
      %jit3A_99 = arith.constant 16384 : i32
      %div3A_100 = arith.divsi %squeeze3A, %jit3A_99 : i32
      %sign3A_101 = arith.constant 0 : i32
      %sign3A_102 = arith.cmpi sgt, %squeeze3A, %sign3A_101 : i32
      %sign3A_103 = arith.extui %sign3A_102 : i1 to i32
      %sign3A_104 = arith.constant 0 : i32
      %sign3A_105 = arith.cmpi slt, %squeeze3A, %sign3A_104 : i32
      %sign3A_106 = arith.extui %sign3A_105 : i1 to i32
      %sign3A_107 = arith.subi %sign3A_103, %sign3A_106 : i32
      %sign3A_108 = arith.constant 0 : i32
      %sign3A_109 = arith.cmpi sgt, %jit3A_99, %sign3A_108 : i32
      %sign3A_110 = arith.extui %sign3A_109 : i1 to i32
      %sign3A_111 = arith.constant 0 : i32
      %sign3A_112 = arith.cmpi slt, %jit3A_99, %sign3A_111 : i32
      %sign3A_113 = arith.extui %sign3A_112 : i1 to i32
      %sign3A_114 = arith.subi %sign3A_110, %sign3A_113 : i32
      %ne3A_115 = arith.cmpi ne, %sign3A_107, %sign3A_114 : i32
      %rem3A_116 = arith.remsi %squeeze3A, %jit3A_99 : i32
      %ne3A_117 = arith.constant 0 : i32
      %ne3A_118 = arith.cmpi ne, %rem3A_116, %ne3A_117 : i32
      %and3A_119 = arith.andi %ne3A_115, %ne3A_118 : i1
      %sub3A_120 = arith.constant 1 : i32
      %sub3A_121 = arith.subi %div3A_100, %sub3A_120 : i32
      %select_n3A_122 = arith.select %and3A_119, %sub3A_121, %div3A_100 : i32
      %sub3A_123 = arith.subi %select_n3A_122, %mul3A_2 : i32
      %jit3A_124 = arith.constant 4 : i32
      %div3A_125 = arith.divsi %sub3A_123, %jit3A_124 : i32
      %sign3A_126 = arith.constant 0 : i32
      %sign3A_127 = arith.cmpi sgt, %sub3A_123, %sign3A_126 : i32
      %sign3A_128 = arith.extui %sign3A_127 : i1 to i32
      %sign3A_129 = arith.constant 0 : i32
      %sign3A_130 = arith.cmpi slt, %sub3A_123, %sign3A_129 : i32
      %sign3A_131 = arith.extui %sign3A_130 : i1 to i32
      %sign3A_132 = arith.subi %sign3A_128, %sign3A_131 : i32
      %sign3A_133 = arith.constant 0 : i32
      %sign3A_134 = arith.cmpi sgt, %jit3A_124, %sign3A_133 : i32
      %sign3A_135 = arith.extui %sign3A_134 : i1 to i32
      %sign3A_136 = arith.constant 0 : i32
      %sign3A_137 = arith.cmpi slt, %jit3A_124, %sign3A_136 : i32
      %sign3A_138 = arith.extui %sign3A_137 : i1 to i32
      %sign3A_139 = arith.subi %sign3A_135, %sign3A_138 : i32
      %ne3A_140 = arith.cmpi ne, %sign3A_132, %sign3A_139 : i32
      %rem3A_141 = arith.remsi %sub3A_123, %jit3A_124 : i32
      %ne3A_142 = arith.constant 0 : i32
      %ne3A_143 = arith.cmpi ne, %rem3A_141, %ne3A_142 : i32
      %and3A_144 = arith.andi %ne3A_140, %ne3A_143 : i1
      %sub3A_145 = arith.constant 1 : i32
      %sub3A_146 = arith.subi %div3A_125, %sub3A_145 : i32
      %select_n3A_147 = arith.select %and3A_144, %sub3A_146, %div3A_125 : i32
      %get3A_148 = arith.index_cast %select_n3A_147 : i32 to index
      %get3A_149 = tpu.vector_load %arg8[%get3A_148] {strides = array<i32>} : memref<64xi32, #tpu.memory_space<vmem>>, vector<16xi32>,
      %slice3A_150 = vector.extract_strided_slice %get3A_149 {offsets = [0], sizes = [1], strides = [1]} : vector<16xi32> to vector<1xi32>
      %squeeze3A_151 = vector.extract %slice3A_150[0] : i32 from vector<1xi32>
      %broadcast_in_dim3A_152 = vector.broadcast %squeeze3A_151 : i32 to vector<16xi32>
      tpu.vector_store_idx %arg7[%broadcast_in_dim3A_152], %get3A_98 masked %eq3A_4 : memref<16416xi32, #tpu.memory_space<vmem>>[vector<16xi32>], vector<16xi32>, vector<16xi1>
      %add3A_153 = arith.constant 1 : i32
      %add3A_154 = vector.broadcast %add3A_153 : i32 to vector<16xi32>
      %add3A_155 = arith.addi %get3A_149, %add3A_154 : vector<16xi32>
      %broadcast_in_dim3A_156 = vector.broadcast %select_n3A_147 : i32 to vector<16xi32>
      tpu.vector_store_idx %arg8[%broadcast_in_dim3A_156], %add3A_155 masked %eq3A_4 : memref<64xi32, #tpu.memory_space<vmem>>[vector<16xi32>], vector<16xi32>, vector<16xi1>
    }
    %scan3A_88 = arith.constant 0 : i32
    %scan3A_89 = arith.constant 0 : i32
    %scan3A_90 = arith.constant 32 : i32
    %scan3A_91 = arith.addi %scan3A_89, %scan3A_90 : i32
    %scan3A_92 = arith.constant 1 : i32
    %scan3A_93 = scf.for %scan3A_95 = %scan3A_89 to %scan3A_91 step %scan3A_92 iter_args(%scan3A_96 = %scan3A_88) -> (i32)  : i32 {
      %mul3A_97 = arith.constant 2 : i32
      %mul3A_98 = arith.muli %scan3A_95, %mul3A_97 : i32
      %add3A_99 = arith.constant 0 : i32
      %add3A_100 = arith.addi %add3A_99, %mul3A_98 : i32
      %add3A_101 = arith.constant 0 : i32
      %add3A_102 = arith.addi %add3A_100, %add3A_101 : i32
      %mul3A_103 = arith.constant 4 : i32
      %mul3A_104 = arith.muli %add3A_102, %mul3A_103 : i32
      %add3A_105 = arith.addi %mul3A_2, %mul3A_104 : i32
      %dma_wait3A = arith.constant 0 : i32
      %dma_wait3A_106 = tpu.memref_slice %arg3[%add3A_105, %dma_wait3A] : memref<8192x8192xf32, #tpu.memory_space<hbm>> -> memref<4x8192xf32, #tpu.memory_space<hbm>>
      %dma_wait3A_107 = arith.constant 0 : i32
      %dma_wait3A_108 = tpu.memref_slice %arg3[%add3A_105, %dma_wait3A_107] : memref<8192x8192xf32, #tpu.memory_space<hbm>> -> memref<4x8192xf32, #tpu.memory_space<hbm>>
      tpu.wait_dma2 semaphore(%arg11 : memref<!tpu.dma_semaphore, #tpu.memory_space<semaphore_mem>>) src(%dma_wait3A_108 : memref<4x8192xf32, #tpu.memory_space<hbm>>) dst(%arg9 : memref<4x8192xf32, #tpu.memory_space<vmem>>)
      %get3A = arith.index_cast %add3A_102 : i32 to index
      %get3A_109 = tpu.vector_load %arg8[%get3A] {strides = array<i32>} : memref<64xi32, #tpu.memory_space<vmem>>, vector<16xi32>,
      %slice3A = vector.extract_strided_slice %get3A_109 {offsets = [0], sizes = [1], strides = [1]} : vector<16xi32> to vector<1xi32>
      %squeeze3A = vector.extract %slice3A[0] : i32 from vector<1xi32>
      %sub3A_110 = arith.subi %squeeze3A, %scan3A_96 : i32
      %sub3A_111 = arith.constant 1 : i32
      %sub3A_112 = arith.constant 1 : i32
      %sub3A_113 = arith.subi %sub3A_111, %sub3A_112 : i32
      %add3A_114 = arith.addi %sub3A_110, %sub3A_113 : i32
      %div3A_115 = arith.constant 1 : i32
      %div3A_116 = arith.divsi %add3A_114, %div3A_115 : i32
      %while3A_117 = arith.constant 1 : i32
      %while3A_118 = arith.constant 0 : i32
      %while3A_119 = arith.subi %div3A_116, %while3A_118 : i32
      %while3A_120 = arith.addi %while3A_118, %while3A_119 : i32
      %while3A_121 = arith.constant 1 : i32
      %while3A_122 = arith.divsi %while3A_119, %while3A_121 : i32
      %while3A_123 = arith.muli %while3A_122, %while3A_121 : i32
      %while3A_124 = arith.addi %while3A_118, %while3A_123 : i32
      %while3A_125 = arith.constant 1 : i32
      scf.for %while3A_202 = %while3A_118 to %while3A_124 step %while3A_125  : i32 {
        %mul3A_203 = arith.muli %while3A_202, %while3A_117 : i32
        %add3A_204 = arith.addi %scan3A_96, %mul3A_203 : i32
        %get3A_205 = arith.index_cast %add3A_204 : i32 to index
        %get3A_206 = tpu.vector_load %arg7[%get3A_205] {strides = array<i32>} : memref<16416xi32, #tpu.memory_space<vmem>>, vector<16xi32>,
        %slice3A_207 = vector.extract_strided_slice %get3A_206 {offsets = [0], sizes = [1], strides = [1]} : vector<16xi32> to vector<1xi32>
        %squeeze3A_208 = vector.extract %slice3A_207[0] : i32 from vector<1xi32>
        %jit3A_209 = arith.constant 16384 : i32
        %eq3A_210 = arith.constant 0 : i32
        %eq3A_211 = arith.cmpi eq, %jit3A_209, %eq3A_210 : i32
        %jit3A_212 = arith.constant 1 : i32
        %select_n3A_213 = arith.select %eq3A_211, %jit3A_212, %jit3A_209 : i32
        %rem3A_214 = arith.remsi %squeeze3A_208, %select_n3A_213 : i32
        %ne3A_215 = arith.constant 0 : i32
        %ne3A_216 = arith.cmpi ne, %rem3A_214, %ne3A_215 : i32
        %lt3A_217 = arith.constant 0 : i32
        %lt3A_218 = arith.cmpi slt, %rem3A_214, %lt3A_217 : i32
        %lt3A_219 = arith.constant 0 : i32
        %lt3A_220 = arith.cmpi slt, %select_n3A_213, %lt3A_219 : i32
        %ne3A_221 = arith.xori %lt3A_218, %lt3A_220 : i1
        %and3A_222 = arith.andi %ne3A_221, %ne3A_216 : i1
        %add3A_223 = arith.addi %rem3A_214, %select_n3A_213 : i32
        %select_n3A_224 = arith.select %and3A_222, %add3A_223, %rem3A_214 : i32
        %jit3A_225 = arith.constant 16384 : i32
        %div3A_226 = arith.divsi %squeeze3A_208, %jit3A_225 : i32
        %sign3A_227 = arith.constant 0 : i32
        %sign3A_228 = arith.cmpi sgt, %squeeze3A_208, %sign3A_227 : i32
        %sign3A_229 = arith.extui %sign3A_228 : i1 to i32
        %sign3A_230 = arith.constant 0 : i32
        %sign3A_231 = arith.cmpi slt, %squeeze3A_208, %sign3A_230 : i32
        %sign3A_232 = arith.extui %sign3A_231 : i1 to i32
        %sign3A_233 = arith.subi %sign3A_229, %sign3A_232 : i32
        %sign3A_234 = arith.constant 0 : i32
        %sign3A_235 = arith.cmpi sgt, %jit3A_225, %sign3A_234 : i32
        %sign3A_236 = arith.extui %sign3A_235 : i1 to i32
        %sign3A_237 = arith.constant 0 : i32
        %sign3A_238 = arith.cmpi slt, %jit3A_225, %sign3A_237 : i32
        %sign3A_239 = arith.extui %sign3A_238 : i1 to i32
        %sign3A_240 = arith.subi %sign3A_236, %sign3A_239 : i32
        %ne3A_241 = arith.cmpi ne, %sign3A_233, %sign3A_240 : i32
        %rem3A_242 = arith.remsi %squeeze3A_208, %jit3A_225 : i32
        %ne3A_243 = arith.constant 0 : i32
        %ne3A_244 = arith.cmpi ne, %rem3A_242, %ne3A_243 : i32
        %and3A_245 = arith.andi %ne3A_241, %ne3A_244 : i1
        %sub3A_246 = arith.constant 1 : i32
        %sub3A_247 = arith.subi %div3A_226, %sub3A_246 : i32
        %select_n3A_248 = arith.select %and3A_245, %sub3A_247, %div3A_226 : i32
        %mul3A_249 = arith.constant 4 : i32
        %mul3A_250 = arith.muli %add3A_102, %mul3A_249 : i32
        %add3A_251 = arith.addi %mul3A_2, %mul3A_250 : i32
        %sub3A_252 = arith.subi %select_n3A_248, %add3A_251 : i32
        %dma_start3A_253 = arith.constant 0 : i32
        %dma_start3A_254 = tpu.memref_slice %arg9[%sub3A_252, %dma_start3A_253] : memref<4x8192xf32, #tpu.memory_space<vmem>> -> memref<1x8192xf32, #tpu.memory_space<vmem>>
        %dma_start3A_255 = arith.constant 0 : i32
        %dma_start3A_256 = tpu.memref_slice %arg4[%select_n3A_224, %dma_start3A_255] : memref<16384x8192xf32, #tpu.memory_space<hbm>> -> memref<1x8192xf32, #tpu.memory_space<hbm>>
        %dma_start3A_257 = arith.constant 0 : i32
        %dma_start3A_258 = tpu.memref_slice %arg4[%select_n3A_224, %dma_start3A_257] : memref<16384x8192xf32, #tpu.memory_space<hbm>> -> memref<1x8192xf32, #tpu.memory_space<hbm>>
        %dma_start3A_259 = arith.constant 0 : i32
        %dma_start3A_260 = tpu.memref_slice %arg9[%sub3A_252, %dma_start3A_259] : memref<4x8192xf32, #tpu.memory_space<vmem>> -> memref<1x8192xf32, #tpu.memory_space<vmem>>
        tpu.enqueue_dma source(%dma_start3A_260 : memref<1x8192xf32, #tpu.memory_space<vmem>>) target(%dma_start3A_258 : memref<1x8192xf32, #tpu.memory_space<hbm>>) target_semaphore(%arg13 : memref<!tpu.dma_semaphore, #tpu.memory_space<semaphore_mem>>)
      }
      %while3A_126 = arith.constant 1 : i32
      scf.for %while3A_202 = %while3A_124 to %while3A_120 step %while3A_126  : i32 {
        %mul3A_203 = arith.muli %while3A_202, %while3A_117 : i32
        %add3A_204 = arith.addi %scan3A_96, %mul3A_203 : i32
        %get3A_205 = arith.index_cast %add3A_204 : i32 to index
        %get3A_206 = tpu.vector_load %arg7[%get3A_205] {strides = array<i32>} : memref<16416xi32, #tpu.memory_space<vmem>>, vector<16xi32>,
        %slice3A_207 = vector.extract_strided_slice %get3A_206 {offsets = [0], sizes = [1], strides = [1]} : vector<16xi32> to vector<1xi32>
        %squeeze3A_208 = vector.extract %slice3A_207[0] : i32 from vector<1xi32>
        %jit3A_209 = arith.constant 16384 : i32
        %eq3A_210 = arith.constant 0 : i32
        %eq3A_211 = arith.cmpi eq, %jit3A_209, %eq3A_210 : i32
        %jit3A_212 = arith.constant 1 : i32
        %select_n3A_213 = arith.select %eq3A_211, %jit3A_212, %jit3A_209 : i32
        %rem3A_214 = arith.remsi %squeeze3A_208, %select_n3A_213 : i32
        %ne3A_215 = arith.constant 0 : i32
        %ne3A_216 = arith.cmpi ne, %rem3A_214, %ne3A_215 : i32
        %lt3A_217 = arith.constant 0 : i32
        %lt3A_218 = arith.cmpi slt, %rem3A_214, %lt3A_217 : i32
        %lt3A_219 = arith.constant 0 : i32
        %lt3A_220 = arith.cmpi slt, %select_n3A_213, %lt3A_219 : i32
        %ne3A_221 = arith.xori %lt3A_218, %lt3A_220 : i1
        %and3A_222 = arith.andi %ne3A_221, %ne3A_216 : i1
        %add3A_223 = arith.addi %rem3A_214, %select_n3A_213 : i32
        %select_n3A_224 = arith.select %and3A_222, %add3A_223, %rem3A_214 : i32
        %jit3A_225 = arith.constant 16384 : i32
        %div3A_226 = arith.divsi %squeeze3A_208, %jit3A_225 : i32
        %sign3A_227 = arith.constant 0 : i32
        %sign3A_228 = arith.cmpi sgt, %squeeze3A_208, %sign3A_227 : i32
        %sign3A_229 = arith.extui %sign3A_228 : i1 to i32
        %sign3A_230 = arith.constant 0 : i32
        %sign3A_231 = arith.cmpi slt, %squeeze3A_208, %sign3A_230 : i32
        %sign3A_232 = arith.extui %sign3A_231 : i1 to i32
        %sign3A_233 = arith.subi %sign3A_229, %sign3A_232 : i32
        %sign3A_234 = arith.constant 0 : i32
        %sign3A_235 = arith.cmpi sgt, %jit3A_225, %sign3A_234 : i32
        %sign3A_236 = arith.extui %sign3A_235 : i1 to i32
        %sign3A_237 = arith.constant 0 : i32
        %sign3A_238 = arith.cmpi slt, %jit3A_225, %sign3A_237 : i32
        %sign3A_239 = arith.extui %sign3A_238 : i1 to i32
        %sign3A_240 = arith.subi %sign3A_236, %sign3A_239 : i32
        %ne3A_241 = arith.cmpi ne, %sign3A_233, %sign3A_240 : i32
        %rem3A_242 = arith.remsi %squeeze3A_208, %jit3A_225 : i32
        %ne3A_243 = arith.constant 0 : i32
        %ne3A_244 = arith.cmpi ne, %rem3A_242, %ne3A_243 : i32
        %and3A_245 = arith.andi %ne3A_241, %ne3A_244 : i1
        %sub3A_246 = arith.constant 1 : i32
        %sub3A_247 = arith.subi %div3A_226, %sub3A_246 : i32
        %select_n3A_248 = arith.select %and3A_245, %sub3A_247, %div3A_226 : i32
        %mul3A_249 = arith.constant 4 : i32
        %mul3A_250 = arith.muli %add3A_102, %mul3A_249 : i32
        %add3A_251 = arith.addi %mul3A_2, %mul3A_250 : i32
        %sub3A_252 = arith.subi %select_n3A_248, %add3A_251 : i32
        %dma_start3A_253 = arith.constant 0 : i32
        %dma_start3A_254 = tpu.memref_slice %arg9[%sub3A_252, %dma_start3A_253] : memref<4x8192xf32, #tpu.memory_space<vmem>> -> memref<1x8192xf32, #tpu.memory_space<vmem>>
        %dma_start3A_255 = arith.constant 0 : i32
        %dma_start3A_256 = tpu.memref_slice %arg4[%select_n3A_224, %dma_start3A_255] : memref<16384x8192xf32, #tpu.memory_space<hbm>> -> memref<1x8192xf32, #tpu.memory_space<hbm>>
        %dma_start3A_257 = arith.constant 0 : i32
        %dma_start3A_258 = tpu.memref_slice %arg4[%select_n3A_224, %dma_start3A_257] : memref<16384x8192xf32, #tpu.memory_space<hbm>> -> memref<1x8192xf32, #tpu.memory_space<hbm>>
        %dma_start3A_259 = arith.constant 0 : i32
        %dma_start3A_260 = tpu.memref_slice %arg9[%sub3A_252, %dma_start3A_259] : memref<4x8192xf32, #tpu.memory_space<vmem>> -> memref<1x8192xf32, #tpu.memory_space<vmem>>
        tpu.enqueue_dma source(%dma_start3A_260 : memref<1x8192xf32, #tpu.memory_space<vmem>>) target(%dma_start3A_258 : memref<1x8192xf32, #tpu.memory_space<hbm>>) target_semaphore(%arg13 : memref<!tpu.dma_semaphore, #tpu.memory_space<semaphore_mem>>)
      }
      %sub3A_127 = arith.subi %squeeze3A, %scan3A_96 : i32
      %sub3A_128 = arith.constant 1 : i32
      %sub3A_129 = arith.constant 1 : i32
      %sub3A_130 = arith.subi %sub3A_128, %sub3A_129 : i32
      %add3A_131 = arith.addi %sub3A_127, %sub3A_130 : i32
      %div3A_132 = arith.constant 1 : i32
      %div3A_133 = arith.divsi %add3A_131, %div3A_132 : i32
      %while3A_134 = arith.constant 1 : i32
      %while3A_135 = arith.constant 0 : i32
      %while3A_136 = arith.subi %div3A_133, %while3A_135 : i32
      %while3A_137 = arith.addi %while3A_135, %while3A_136 : i32
      %while3A_138 = arith.constant 1 : i32
      %while3A_139 = arith.divsi %while3A_136, %while3A_138 : i32
      %while3A_140 = arith.muli %while3A_139, %while3A_138 : i32
      %while3A_141 = arith.addi %while3A_135, %while3A_140 : i32
      %while3A_142 = arith.constant 1 : i32
      scf.for %while3A_202 = %while3A_135 to %while3A_141 step %while3A_142  : i32 {
        %mul3A_203 = arith.muli %while3A_202, %while3A_134 : i32
        %add3A_204 = arith.addi %scan3A_96, %mul3A_203 : i32
        %dma_wait3A_205 = arith.constant 0 : i32
        %dma_wait3A_206 = arith.constant 0 : i32
        %dma_wait3A_207 = tpu.memref_slice %arg9[%dma_wait3A_205, %dma_wait3A_206] : memref<4x8192xf32, #tpu.memory_space<vmem>> -> memref<1x8192xf32, #tpu.memory_space<vmem>>
        %dma_wait3A_208 = arith.constant 0 : i32
        %dma_wait3A_209 = arith.constant 0 : i32
        %dma_wait3A_210 = tpu.memref_slice %arg4[%dma_wait3A_208, %dma_wait3A_209] : memref<16384x8192xf32, #tpu.memory_space<hbm>> -> memref<1x8192xf32, #tpu.memory_space<hbm>>
        %dma_wait3A_211 = arith.constant 0 : i32
        %dma_wait3A_212 = arith.constant 0 : i32
        %dma_wait3A_213 = tpu.memref_slice %arg4[%dma_wait3A_211, %dma_wait3A_212] : memref<16384x8192xf32, #tpu.memory_space<hbm>> -> memref<1x8192xf32, #tpu.memory_space<hbm>>
        %dma_wait3A_214 = arith.constant 0 : i32
        %dma_wait3A_215 = arith.constant 0 : i32
        %dma_wait3A_216 = tpu.memref_slice %arg9[%dma_wait3A_214, %dma_wait3A_215] : memref<4x8192xf32, #tpu.memory_space<vmem>> -> memref<1x8192xf32, #tpu.memory_space<vmem>>
        tpu.wait_dma2 semaphore(%arg13 : memref<!tpu.dma_semaphore, #tpu.memory_space<semaphore_mem>>) src(%dma_wait3A_216 : memref<1x8192xf32, #tpu.memory_space<vmem>>) dst(%dma_wait3A_213 : memref<1x8192xf32, #tpu.memory_space<hbm>>)
      }
      %while3A_143 = arith.constant 1 : i32
      scf.for %while3A_202 = %while3A_141 to %while3A_137 step %while3A_143  : i32 {
        %mul3A_203 = arith.muli %while3A_202, %while3A_134 : i32
        %add3A_204 = arith.addi %scan3A_96, %mul3A_203 : i32
        %dma_wait3A_205 = arith.constant 0 : i32
        %dma_wait3A_206 = arith.constant 0 : i32
        %dma_wait3A_207 = tpu.memref_slice %arg9[%dma_wait3A_205, %dma_wait3A_206] : memref<4x8192xf32, #tpu.memory_space<vmem>> -> memref<1x8192xf32, #tpu.memory_space<vmem>>
        %dma_wait3A_208 = arith.constant 0 : i32
        %dma_wait3A_209 = arith.constant 0 : i32
        %dma_wait3A_210 = tpu.memref_slice %arg4[%dma_wait3A_208, %dma_wait3A_209] : memref<16384x8192xf32, #tpu.memory_space<hbm>> -> memref<1x8192xf32, #tpu.memory_space<hbm>>
        %dma_wait3A_211 = arith.constant 0 : i32
        %dma_wait3A_212 = arith.constant 0 : i32
        %dma_wait3A_213 = tpu.memref_slice %arg4[%dma_wait3A_211, %dma_wait3A_212] : memref<16384x8192xf32, #tpu.memory_space<hbm>> -> memref<1x8192xf32, #tpu.memory_space<hbm>>
        %dma_wait3A_214 = arith.constant 0 : i32
        %dma_wait3A_215 = arith.constant 0 : i32
        %dma_wait3A_216 = tpu.memref_slice %arg9[%dma_wait3A_214, %dma_wait3A_215] : memref<4x8192xf32, #tpu.memory_space<vmem>> -> memref<1x8192xf32, #tpu.memory_space<vmem>>
        tpu.wait_dma2 semaphore(%arg13 : memref<!tpu.dma_semaphore, #tpu.memory_space<semaphore_mem>>) src(%dma_wait3A_216 : memref<1x8192xf32, #tpu.memory_space<vmem>>) dst(%dma_wait3A_213 : memref<1x8192xf32, #tpu.memory_space<hbm>>)
      }
      %add3A_144 = arith.constant 2 : i32
      %add3A_145 = arith.addi %add3A_102, %add3A_144 : i32
      %lt3A = arith.constant 64 : i32
      %lt3A_146 = arith.cmpi slt, %add3A_145, %lt3A : i32
      %convert_element_type3A = arith.extui %lt3A_146 : i1 to i32
      %cond3A = arith.constant 0 : i32
      %cond3A_147 = arith.cmpi ne, %convert_element_type3A, %cond3A : i32
      scf.if %cond3A_147 {
        %add3A_202 = arith.constant 2 : i32
        %add3A_203 = arith.addi %add3A_102, %add3A_202 : i32
        %mul3A_204 = arith.constant 4 : i32
        %mul3A_205 = arith.muli %add3A_203, %mul3A_204 : i32
        %add3A_206 = arith.addi %mul3A_2, %mul3A_205 : i32
        %dma_start3A_207 = arith.constant 0 : i32
        %dma_start3A_208 = tpu.memref_slice %arg3[%add3A_206, %dma_start3A_207] : memref<8192x8192xf32, #tpu.memory_space<hbm>> -> memref<4x8192xf32, #tpu.memory_space<hbm>>
        %dma_start3A_209 = arith.constant 0 : i32
        %dma_start3A_210 = tpu.memref_slice %arg3[%add3A_206, %dma_start3A_209] : memref<8192x8192xf32, #tpu.memory_space<hbm>> -> memref<4x8192xf32, #tpu.memory_space<hbm>>
        tpu.enqueue_dma source(%dma_start3A_210 : memref<4x8192xf32, #tpu.memory_space<hbm>>) target(%arg9 : memref<4x8192xf32, #tpu.memory_space<vmem>>) target_semaphore(%arg11 : memref<!tpu.dma_semaphore, #tpu.memory_space<semaphore_mem>>)
      } else {
      }
      %add3A_148 = arith.constant 1 : i32
      %add3A_149 = arith.addi %add3A_100, %add3A_148 : i32
      %mul3A_150 = arith.constant 4 : i32
      %mul3A_151 = arith.muli %add3A_149, %mul3A_150 : i32
      %add3A_152 = arith.addi %mul3A_2, %mul3A_151 : i32
      %dma_wait3A_153 = arith.constant 0 : i32
      %dma_wait3A_154 = tpu.memref_slice %arg3[%add3A_152, %dma_wait3A_153] : memref<8192x8192xf32, #tpu.memory_space<hbm>> -> memref<4x8192xf32, #tpu.memory_space<hbm>>
      %dma_wait3A_155 = arith.constant 0 : i32
      %dma_wait3A_156 = tpu.memref_slice %arg3[%add3A_152, %dma_wait3A_155] : memref<8192x8192xf32, #tpu.memory_space<hbm>> -> memref<4x8192xf32, #tpu.memory_space<hbm>>
      tpu.wait_dma2 semaphore(%arg12 : memref<!tpu.dma_semaphore, #tpu.memory_space<semaphore_mem>>) src(%dma_wait3A_156 : memref<4x8192xf32, #tpu.memory_space<hbm>>) dst(%arg10 : memref<4x8192xf32, #tpu.memory_space<vmem>>)
      %get3A_157 = arith.index_cast %add3A_149 : i32 to index
      %get3A_158 = tpu.vector_load %arg8[%get3A_157] {strides = array<i32>} : memref<64xi32, #tpu.memory_space<vmem>>, vector<16xi32>,
      %slice3A_159 = vector.extract_strided_slice %get3A_158 {offsets = [0], sizes = [1], strides = [1]} : vector<16xi32> to vector<1xi32>
      %squeeze3A_160 = vector.extract %slice3A_159[0] : i32 from vector<1xi32>
      %sub3A_161 = arith.subi %squeeze3A_160, %squeeze3A : i32
      %sub3A_162 = arith.constant 1 : i32
      %sub3A_163 = arith.constant 1 : i32
      %sub3A_164 = arith.subi %sub3A_162, %sub3A_163 : i32
      %add3A_165 = arith.addi %sub3A_161, %sub3A_164 : i32
      %div3A_166 = arith.constant 1 : i32
      %div3A_167 = arith.divsi %add3A_165, %div3A_166 : i32
      %while3A_168 = arith.constant 1 : i32
      %while3A_169 = arith.constant 0 : i32
      %while3A_170 = arith.subi %div3A_167, %while3A_169 : i32
      %while3A_171 = arith.addi %while3A_169, %while3A_170 : i32
      %while3A_172 = arith.constant 1 : i32
      %while3A_173 = arith.divsi %while3A_170, %while3A_172 : i32
      %while3A_174 = arith.muli %while3A_173, %while3A_172 : i32
      %while3A_175 = arith.addi %while3A_169, %while3A_174 : i32
      %while3A_176 = arith.constant 1 : i32
      scf.for %while3A_202 = %while3A_169 to %while3A_175 step %while3A_176  : i32 {
        %mul3A_203 = arith.muli %while3A_202, %while3A_168 : i32
        %add3A_204 = arith.addi %squeeze3A, %mul3A_203 : i32
        %get3A_205 = arith.index_cast %add3A_204 : i32 to index
        %get3A_206 = tpu.vector_load %arg7[%get3A_205] {strides = array<i32>} : memref<16416xi32, #tpu.memory_space<vmem>>, vector<16xi32>,
        %slice3A_207 = vector.extract_strided_slice %get3A_206 {offsets = [0], sizes = [1], strides = [1]} : vector<16xi32> to vector<1xi32>
        %squeeze3A_208 = vector.extract %slice3A_207[0] : i32 from vector<1xi32>
        %jit3A_209 = arith.constant 16384 : i32
        %eq3A_210 = arith.constant 0 : i32
        %eq3A_211 = arith.cmpi eq, %jit3A_209, %eq3A_210 : i32
        %jit3A_212 = arith.constant 1 : i32
        %select_n3A_213 = arith.select %eq3A_211, %jit3A_212, %jit3A_209 : i32
        %rem3A_214 = arith.remsi %squeeze3A_208, %select_n3A_213 : i32
        %ne3A_215 = arith.constant 0 : i32
        %ne3A_216 = arith.cmpi ne, %rem3A_214, %ne3A_215 : i32
        %lt3A_217 = arith.constant 0 : i32
        %lt3A_218 = arith.cmpi slt, %rem3A_214, %lt3A_217 : i32
        %lt3A_219 = arith.constant 0 : i32
        %lt3A_220 = arith.cmpi slt, %select_n3A_213, %lt3A_219 : i32
        %ne3A_221 = arith.xori %lt3A_218, %lt3A_220 : i1
        %and3A_222 = arith.andi %ne3A_221, %ne3A_216 : i1
        %add3A_223 = arith.addi %rem3A_214, %select_n3A_213 : i32
        %select_n3A_224 = arith.select %and3A_222, %add3A_223, %rem3A_214 : i32
        %jit3A_225 = arith.constant 16384 : i32
        %div3A_226 = arith.divsi %squeeze3A_208, %jit3A_225 : i32
        %sign3A_227 = arith.constant 0 : i32
        %sign3A_228 = arith.cmpi sgt, %squeeze3A_208, %sign3A_227 : i32
        %sign3A_229 = arith.extui %sign3A_228 : i1 to i32
        %sign3A_230 = arith.constant 0 : i32
        %sign3A_231 = arith.cmpi slt, %squeeze3A_208, %sign3A_230 : i32
        %sign3A_232 = arith.extui %sign3A_231 : i1 to i32
        %sign3A_233 = arith.subi %sign3A_229, %sign3A_232 : i32
        %sign3A_234 = arith.constant 0 : i32
        %sign3A_235 = arith.cmpi sgt, %jit3A_225, %sign3A_234 : i32
        %sign3A_236 = arith.extui %sign3A_235 : i1 to i32
        %sign3A_237 = arith.constant 0 : i32
        %sign3A_238 = arith.cmpi slt, %jit3A_225, %sign3A_237 : i32
        %sign3A_239 = arith.extui %sign3A_238 : i1 to i32
        %sign3A_240 = arith.subi %sign3A_236, %sign3A_239 : i32
        %ne3A_241 = arith.cmpi ne, %sign3A_233, %sign3A_240 : i32
        %rem3A_242 = arith.remsi %squeeze3A_208, %jit3A_225 : i32
        %ne3A_243 = arith.constant 0 : i32
        %ne3A_244 = arith.cmpi ne, %rem3A_242, %ne3A_243 : i32
        %and3A_245 = arith.andi %ne3A_241, %ne3A_244 : i1
        %sub3A_246 = arith.constant 1 : i32
        %sub3A_247 = arith.subi %div3A_226, %sub3A_246 : i32
        %select_n3A_248 = arith.select %and3A_245, %sub3A_247, %div3A_226 : i32
        %mul3A_249 = arith.constant 4 : i32
        %mul3A_250 = arith.muli %add3A_149, %mul3A_249 : i32
        %add3A_251 = arith.addi %mul3A_2, %mul3A_250 : i32
        %sub3A_252 = arith.subi %select_n3A_248, %add3A_251 : i32
        %dma_start3A_253 = arith.constant 0 : i32
        %dma_start3A_254 = tpu.memref_slice %arg10[%sub3A_252, %dma_start3A_253] : memref<4x8192xf32, #tpu.memory_space<vmem>> -> memref<1x8192xf32, #tpu.memory_space<vmem>>
        %dma_start3A_255 = arith.constant 0 : i32
        %dma_start3A_256 = tpu.memref_slice %arg4[%select_n3A_224, %dma_start3A_255] : memref<16384x8192xf32, #tpu.memory_space<hbm>> -> memref<1x8192xf32, #tpu.memory_space<hbm>>
        %dma_start3A_257 = arith.constant 0 : i32
        %dma_start3A_258 = tpu.memref_slice %arg4[%select_n3A_224, %dma_start3A_257] : memref<16384x8192xf32, #tpu.memory_space<hbm>> -> memref<1x8192xf32, #tpu.memory_space<hbm>>
        %dma_start3A_259 = arith.constant 0 : i32
        %dma_start3A_260 = tpu.memref_slice %arg10[%sub3A_252, %dma_start3A_259] : memref<4x8192xf32, #tpu.memory_space<vmem>> -> memref<1x8192xf32, #tpu.memory_space<vmem>>
        tpu.enqueue_dma source(%dma_start3A_260 : memref<1x8192xf32, #tpu.memory_space<vmem>>) target(%dma_start3A_258 : memref<1x8192xf32, #tpu.memory_space<hbm>>) target_semaphore(%arg14 : memref<!tpu.dma_semaphore, #tpu.memory_space<semaphore_mem>>)
      }
      %while3A_177 = arith.constant 1 : i32
      scf.for %while3A_202 = %while3A_175 to %while3A_171 step %while3A_177  : i32 {
        %mul3A_203 = arith.muli %while3A_202, %while3A_168 : i32
        %add3A_204 = arith.addi %squeeze3A, %mul3A_203 : i32
        %get3A_205 = arith.index_cast %add3A_204 : i32 to index
        %get3A_206 = tpu.vector_load %arg7[%get3A_205] {strides = array<i32>} : memref<16416xi32, #tpu.memory_space<vmem>>, vector<16xi32>,
        %slice3A_207 = vector.extract_strided_slice %get3A_206 {offsets = [0], sizes = [1], strides = [1]} : vector<16xi32> to vector<1xi32>
        %squeeze3A_208 = vector.extract %slice3A_207[0] : i32 from vector<1xi32>
        %jit3A_209 = arith.constant 16384 : i32
        %eq3A_210 = arith.constant 0 : i32
        %eq3A_211 = arith.cmpi eq, %jit3A_209, %eq3A_210 : i32
        %jit3A_212 = arith.constant 1 : i32
        %select_n3A_213 = arith.select %eq3A_211, %jit3A_212, %jit3A_209 : i32
        %rem3A_214 = arith.remsi %squeeze3A_208, %select_n3A_213 : i32
        %ne3A_215 = arith.constant 0 : i32
        %ne3A_216 = arith.cmpi ne, %rem3A_214, %ne3A_215 : i32
        %lt3A_217 = arith.constant 0 : i32
        %lt3A_218 = arith.cmpi slt, %rem3A_214, %lt3A_217 : i32
        %lt3A_219 = arith.constant 0 : i32
        %lt3A_220 = arith.cmpi slt, %select_n3A_213, %lt3A_219 : i32
        %ne3A_221 = arith.xori %lt3A_218, %lt3A_220 : i1
        %and3A_222 = arith.andi %ne3A_221, %ne3A_216 : i1
        %add3A_223 = arith.addi %rem3A_214, %select_n3A_213 : i32
        %select_n3A_224 = arith.select %and3A_222, %add3A_223, %rem3A_214 : i32
        %jit3A_225 = arith.constant 16384 : i32
        %div3A_226 = arith.divsi %squeeze3A_208, %jit3A_225 : i32
        %sign3A_227 = arith.constant 0 : i32
        %sign3A_228 = arith.cmpi sgt, %squeeze3A_208, %sign3A_227 : i32
        %sign3A_229 = arith.extui %sign3A_228 : i1 to i32
        %sign3A_230 = arith.constant 0 : i32
        %sign3A_231 = arith.cmpi slt, %squeeze3A_208, %sign3A_230 : i32
        %sign3A_232 = arith.extui %sign3A_231 : i1 to i32
        %sign3A_233 = arith.subi %sign3A_229, %sign3A_232 : i32
        %sign3A_234 = arith.constant 0 : i32
        %sign3A_235 = arith.cmpi sgt, %jit3A_225, %sign3A_234 : i32
        %sign3A_236 = arith.extui %sign3A_235 : i1 to i32
        %sign3A_237 = arith.constant 0 : i32
        %sign3A_238 = arith.cmpi slt, %jit3A_225, %sign3A_237 : i32
        %sign3A_239 = arith.extui %sign3A_238 : i1 to i32
        %sign3A_240 = arith.subi %sign3A_236, %sign3A_239 : i32
        %ne3A_241 = arith.cmpi ne, %sign3A_233, %sign3A_240 : i32
        %rem3A_242 = arith.remsi %squeeze3A_208, %jit3A_225 : i32
        %ne3A_243 = arith.constant 0 : i32
        %ne3A_244 = arith.cmpi ne, %rem3A_242, %ne3A_243 : i32
        %and3A_245 = arith.andi %ne3A_241, %ne3A_244 : i1
        %sub3A_246 = arith.constant 1 : i32
        %sub3A_247 = arith.subi %div3A_226, %sub3A_246 : i32
        %select_n3A_248 = arith.select %and3A_245, %sub3A_247, %div3A_226 : i32
        %mul3A_249 = arith.constant 4 : i32
        %mul3A_250 = arith.muli %add3A_149, %mul3A_249 : i32
        %add3A_251 = arith.addi %mul3A_2, %mul3A_250 : i32
        %sub3A_252 = arith.subi %select_n3A_248, %add3A_251 : i32
        %dma_start3A_253 = arith.constant 0 : i32
        %dma_start3A_254 = tpu.memref_slice %arg10[%sub3A_252, %dma_start3A_253] : memref<4x8192xf32, #tpu.memory_space<vmem>> -> memref<1x8192xf32, #tpu.memory_space<vmem>>
        %dma_start3A_255 = arith.constant 0 : i32
        %dma_start3A_256 = tpu.memref_slice %arg4[%select_n3A_224, %dma_start3A_255] : memref<16384x8192xf32, #tpu.memory_space<hbm>> -> memref<1x8192xf32, #tpu.memory_space<hbm>>
        %dma_start3A_257 = arith.constant 0 : i32
        %dma_start3A_258 = tpu.memref_slice %arg4[%select_n3A_224, %dma_start3A_257] : memref<16384x8192xf32, #tpu.memory_space<hbm>> -> memref<1x8192xf32, #tpu.memory_space<hbm>>
        %dma_start3A_259 = arith.constant 0 : i32
        %dma_start3A_260 = tpu.memref_slice %arg10[%sub3A_252, %dma_start3A_259] : memref<4x8192xf32, #tpu.memory_space<vmem>> -> memref<1x8192xf32, #tpu.memory_space<vmem>>
        tpu.enqueue_dma source(%dma_start3A_260 : memref<1x8192xf32, #tpu.memory_space<vmem>>) target(%dma_start3A_258 : memref<1x8192xf32, #tpu.memory_space<hbm>>) target_semaphore(%arg14 : memref<!tpu.dma_semaphore, #tpu.memory_space<semaphore_mem>>)
      }
      %sub3A_178 = arith.subi %squeeze3A_160, %squeeze3A : i32
      %sub3A_179 = arith.constant 1 : i32
      %sub3A_180 = arith.constant 1 : i32
      %sub3A_181 = arith.subi %sub3A_179, %sub3A_180 : i32
      %add3A_182 = arith.addi %sub3A_178, %sub3A_181 : i32
      %div3A_183 = arith.constant 1 : i32
      %div3A_184 = arith.divsi %add3A_182, %div3A_183 : i32
      %while3A_185 = arith.constant 1 : i32
      %while3A_186 = arith.constant 0 : i32
      %while3A_187 = arith.subi %div3A_184, %while3A_186 : i32
      %while3A_188 = arith.addi %while3A_186, %while3A_187 : i32
      %while3A_189 = arith.constant 1 : i32
      %while3A_190 = arith.divsi %while3A_187, %while3A_189 : i32
      %while3A_191 = arith.muli %while3A_190, %while3A_189 : i32
      %while3A_192 = arith.addi %while3A_186, %while3A_191 : i32
      %while3A_193 = arith.constant 1 : i32
      scf.for %while3A_202 = %while3A_186 to %while3A_192 step %while3A_193  : i32 {
        %mul3A_203 = arith.muli %while3A_202, %while3A_185 : i32
        %add3A_204 = arith.addi %squeeze3A, %mul3A_203 : i32
        %dma_wait3A_205 = arith.constant 0 : i32
        %dma_wait3A_206 = arith.constant 0 : i32
        %dma_wait3A_207 = tpu.memref_slice %arg10[%dma_wait3A_205, %dma_wait3A_206] : memref<4x8192xf32, #tpu.memory_space<vmem>> -> memref<1x8192xf32, #tpu.memory_space<vmem>>
        %dma_wait3A_208 = arith.constant 0 : i32
        %dma_wait3A_209 = arith.constant 0 : i32
        %dma_wait3A_210 = tpu.memref_slice %arg4[%dma_wait3A_208, %dma_wait3A_209] : memref<16384x8192xf32, #tpu.memory_space<hbm>> -> memref<1x8192xf32, #tpu.memory_space<hbm>>
        %dma_wait3A_211 = arith.constant 0 : i32
        %dma_wait3A_212 = arith.constant 0 : i32
        %dma_wait3A_213 = tpu.memref_slice %arg4[%dma_wait3A_211, %dma_wait3A_212] : memref<16384x8192xf32, #tpu.memory_space<hbm>> -> memref<1x8192xf32, #tpu.memory_space<hbm>>
        %dma_wait3A_214 = arith.constant 0 : i32
        %dma_wait3A_215 = arith.constant 0 : i32
        %dma_wait3A_216 = tpu.memref_slice %arg10[%dma_wait3A_214, %dma_wait3A_215] : memref<4x8192xf32, #tpu.memory_space<vmem>> -> memref<1x8192xf32, #tpu.memory_space<vmem>>
        tpu.wait_dma2 semaphore(%arg14 : memref<!tpu.dma_semaphore, #tpu.memory_space<semaphore_mem>>) src(%dma_wait3A_216 : memref<1x8192xf32, #tpu.memory_space<vmem>>) dst(%dma_wait3A_213 : memref<1x8192xf32, #tpu.memory_space<hbm>>)
      }
      %while3A_194 = arith.constant 1 : i32
      scf.for %while3A_202 = %while3A_192 to %while3A_188 step %while3A_194  : i32 {
        %mul3A_203 = arith.muli %while3A_202, %while3A_185 : i32
        %add3A_204 = arith.addi %squeeze3A, %mul3A_203 : i32
        %dma_wait3A_205 = arith.constant 0 : i32
        %dma_wait3A_206 = arith.constant 0 : i32
        %dma_wait3A_207 = tpu.memref_slice %arg10[%dma_wait3A_205, %dma_wait3A_206] : memref<4x8192xf32, #tpu.memory_space<vmem>> -> memref<1x8192xf32, #tpu.memory_space<vmem>>
        %dma_wait3A_208 = arith.constant 0 : i32
        %dma_wait3A_209 = arith.constant 0 : i32
        %dma_wait3A_210 = tpu.memref_slice %arg4[%dma_wait3A_208, %dma_wait3A_209] : memref<16384x8192xf32, #tpu.memory_space<hbm>> -> memref<1x8192xf32, #tpu.memory_space<hbm>>
        %dma_wait3A_211 = arith.constant 0 : i32
        %dma_wait3A_212 = arith.constant 0 : i32
        %dma_wait3A_213 = tpu.memref_slice %arg4[%dma_wait3A_211, %dma_wait3A_212] : memref<16384x8192xf32, #tpu.memory_space<hbm>> -> memref<1x8192xf32, #tpu.memory_space<hbm>>
        %dma_wait3A_214 = arith.constant 0 : i32
        %dma_wait3A_215 = arith.constant 0 : i32
        %dma_wait3A_216 = tpu.memref_slice %arg10[%dma_wait3A_214, %dma_wait3A_215] : memref<4x8192xf32, #tpu.memory_space<vmem>> -> memref<1x8192xf32, #tpu.memory_space<vmem>>
        tpu.wait_dma2 semaphore(%arg14 : memref<!tpu.dma_semaphore, #tpu.memory_space<semaphore_mem>>) src(%dma_wait3A_216 : memref<1x8192xf32, #tpu.memory_space<vmem>>) dst(%dma_wait3A_213 : memref<1x8192xf32, #tpu.memory_space<hbm>>)
      }
      %add3A_195 = arith.constant 2 : i32
      %add3A_196 = arith.addi %add3A_149, %add3A_195 : i32
      %lt3A_197 = arith.constant 64 : i32
      %lt3A_198 = arith.cmpi slt, %add3A_196, %lt3A_197 : i32
      %convert_element_type3A_199 = arith.extui %lt3A_198 : i1 to i32
      %cond3A_200 = arith.constant 0 : i32
      %cond3A_201 = arith.cmpi ne, %convert_element_type3A_199, %cond3A_200 : i32
      scf.if %cond3A_201 {
        %add3A_202 = arith.constant 2 : i32
        %add3A_203 = arith.addi %add3A_149, %add3A_202 : i32
        %mul3A_204 = arith.constant 4 : i32
        %mul3A_205 = arith.muli %add3A_203, %mul3A_204 : i32
        %add3A_206 = arith.addi %mul3A_2, %mul3A_205 : i32
        %dma_start3A_207 = arith.constant 0 : i32
        %dma_start3A_208 = tpu.memref_slice %arg3[%add3A_206, %dma_start3A_207] : memref<8192x8192xf32, #tpu.memory_space<hbm>> -> memref<4x8192xf32, #tpu.memory_space<hbm>>
        %dma_start3A_209 = arith.constant 0 : i32
        %dma_start3A_210 = tpu.memref_slice %arg3[%add3A_206, %dma_start3A_209] : memref<8192x8192xf32, #tpu.memory_space<hbm>> -> memref<4x8192xf32, #tpu.memory_space<hbm>>
        tpu.enqueue_dma source(%dma_start3A_210 : memref<4x8192xf32, #tpu.memory_space<hbm>>) target(%arg10 : memref<4x8192xf32, #tpu.memory_space<vmem>>) target_semaphore(%arg12 : memref<!tpu.dma_semaphore, #tpu.memory_space<semaphore_mem>>)
      } else {
      }
      scf.yield %squeeze3A_160 : i32
    }
    %scan3A_94 = arith.constant 32 : i32
    return
  }
}

</mosaic_0001>

<sc_bundles>
// kernel: kernel.3.cloned.1.call-start
scs
__scs_entry_jumppad:
0x0: {  	(pc) =	sbr.rel $0x88, $3  }
0x1: {  	(tag) =	ssettag $0x0;
	lr =	simm.s32 $0x1  }
0x2: {  	[smem:$0x3F9F] =	sst lr;
	_ =	strace $0xD0000000  }
0x3: {  	_ = 	snop  }
0x4: {  	_ = 	snop  }
0x5: {  	_ = 	snop  }
0x6: {  	_ = 	snop  }
0x7: {  	_ = 	snop  }
__scs_overlays_trampoline_lowered:
0x8: {  	[smem:$0x3FAE] =	sst s0  }
0x9: {  	[smem:$0x3FAF] =	sst s1  }
0xa: {  	[smem:$0x3FB0] =	sst s2  }
0xb: {  	[smem:$0x3FB1] =	sst s3  }
0xc: {  	[smem:$0x3FB2] =	sst s4  }
0xd: {  	[smem:$0x3FB3] =	sst s5  }
0xe: {  	[smem:$0x3FB4] =	sst s6  }
0xf: {  	[smem:$0x3FB5] =	sst s7  }
0x10: {  	[smem:$0x3FB6] =	sst s8  }
0x11: {  	[smem:$0x3FB7] =	sst s9;
	s0 =	simm.s32 @!p0 $0x0  }
0x12: {  	s1 =	sld [smem:$0x3F9D];
	s0 =	simm.s32 @p0 $0x1  }
0x13: {  	[smem:$0x3FB8] =	sst s0;
	s0 =	simm.s32 @!p1 $0x0  }
0x14: {  	s2 =	sld [smem:$0x3F9C];
	s0 =	simm.s32 @p1 $0x1  }
0x15: {  	[smem:$0x3FB9] =	sst s0;
	s0 =	simm.s32 @!p2 $0x0  }
0x16: {  	s3 =	sld [smem:$0x3FDB];
	s0 =	simm.s32 @p2 $0x1  }
0x17: {  	s4 =	simm.s32 $0x1BF5;
	[smem:$0x3FBB] =	sst s0  }
0x18: {  	s0 =	sld [smem:$0x3F9E];
	_ =	swait.ge [sflag:s4], $0x0  }
0x19: {  	s7 =	sld [smem:$0x3F9F]  }
0x1a: {  	s8 =	sadd.s32 $0xFFFFE003, lr  }
0x1b: {  	s9 =	sadd.s32 $0xFFFFFEF7, lr;
	s5 =	simm.s32 $0xFFFFFFFF;
	p2 =	slt.u32 s8, $0xFFFFF086  }
0x1c: {  	p1 =	slt.u32 s9, $0xF7A;
	s5 =	simm.s32 @!p2 $0x0  }
0x1d: {  	s5 =	simm.s32 @p1 $0x1;
	p0 =	seq.s32 s7, s2  }
0x1e: {  	s7 =	smul.u32 @!p0 $0xF7A, s2;
	p2 =	seq.s32 @!p0 s5, $0x0  }
0x1f: {  	s9 =	smul.u32 $0xF7A, s1;
	s8 =	simm.s32 @!p0 $0x1BF5;
	p2 =	por !p2, p0  }
0x20: {  	[sflag:s8] =	ssyncset.s32 @!p0 $0xFFFFF086;
	s6 =	sadd.s32 @!p0 s3, s7;
	s7 =	simm.s32 @!p0 $0x108  }
0x21: {  	s3 =	sadd.s32 s3, s9;
	s6 =	sadd.s32 @!p0 $0x88, s6;
	s7 =	simm.s32 @p2 $0x1082  }
0x22: {  	[simem:s7], [sflag:s8] =	dma.local @!p0 [hbm:s6], $0xF7A  }
0x23: {  	s9 =	sor.u32 $0xD0000000, s2;
	s6 =	simm.s32 $0x108;
	_ =	swait.ge @!p0 [sflag:s8], $0x0  }
0x24: {  	s3 =	sadd.s32 $0x88, s3;
	s6 =	simm.s32 @!p1 $0x1082;
	[sflag:s4] =	ssyncset.s32 $0xFFFFF086  }
0x25: {  	[simem:s6], [sflag:s4] =	dma.local [hbm:s3], $0xF7A  }
0x26: {  	[smem:$0x3F9F] =	sst s1;
	(tag) =	ssettag s2;
	_ =	strace s9  }
0x27: {  	s1 =	sld [smem:$0x3FAF]  }
0x28: {  	s2 =	sld [smem:$0x3FB0]  }
0x29: {  	s4 =	sld [smem:$0x3FB2]  }
0x2a: {  	p0 =	seq.s32 s5, $0x0;
	s5 =	sld [smem:$0x3FB3]  }
0x2b: {  	s6 =	sld [smem:$0x3FB4]  }
0x2c: {  	s7 =	sld [smem:$0x3FB5]  }
0x2d: {  	s3 =	simm.s32 $0x108;
	s8 =	sld [smem:$0x3FB6]  }
0x2e: {  	s3 =	simm.s32 @!p0 $0x1082;
	s9 =	sld [smem:$0x3FB7]  }
0x2f: {  	lr =	sadd.s32 s0, s3;
	s0 =	sld [smem:$0x3FAE]  }
0x30: {  	s3 =	sld [smem:$0x3FB1]  }
0x31: {  	[smem:$0x3FBA] =	sst s10  }
0x32: {  	s10 =	sld [smem:$0x3FB8];
	_ =	sdelay $0x3  }
0x33: {  	p0 =	seq.s32 s10, $0x1;
	s10 =	sld [smem:$0x3FBA];
	_ =	sdelay $0x3  }
0x34: {  	[smem:$0x3FBA] =	sst s10  }
0x35: {  	s10 =	sld [smem:$0x3FB9];
	_ =	sdelay $0x3  }
0x36: {  	p1 =	seq.s32 s10, $0x1;
	s10 =	sld [smem:$0x3FBA];
	_ =	sdelay $0x3  }
0x37: {  	[smem:$0x3FBA] =	sst s10  }
0x38: {  	s10 =	sld [smem:$0x3FBB]  }
0x39: {  	_ = 	snop;
	(pc) =	sbr.ind lr, $3  }
0x3a: {  	_ = 	snop  }
0x3b: {  	_ = 	snop  }
0x3c: {  	p2 =	seq.s32 s10, $0x1;
	s10 =	sld [smem:$0x3FBA]  }
0x3d: {  	_ =	shalt  }
0x3e: {  	_ =	shalt  }
0x3f: {  	_ =	shalt  }
0x40: {  	_ =	shalt  }
0x41: {  	_ =	shalt  }
0x42: {  	_ =	shalt  }
0x43: {  	_ =	shalt  }
0x44: {  	_ =	shalt  }
0x45: {  	_ =	shalt  }
0x46: {  	_ =	shalt  }
0x47: {  	_ =	shalt  }
0x48: {  	_ =	shalt  }
0x49: {  	_ =	shalt  }
0x4a: {  	_ =	shalt  }
0x4b: {  	_ =	shalt  }
0x4c: {  	_ =	shalt  }
0x4d: {  	_ =	shalt  }
0x4e: {  	_ =	shalt  }
0x4f: {  	_ =	shalt  }
0x50: {  	_ =	shalt  }
0x51: {  	_ =	shalt  }
0x52: {  	_ =	shalt  }
0x53: {  	_ =	shalt  }
0x54: {  	_ =	shalt  }
0x55: {  	_ =	shalt  }
0x56: {  	_ =	shalt  }
0x57: {  	_ =	shalt  }
0x58: {  	_ =	shalt  }
0x59: {  	_ =	shalt  }
0x5a: {  	_ =	shalt  }
0x5b: {  	_ =	shalt  }
0x5c: {  	_ =	shalt  }
0x5d: {  	_ =	shalt  }
0x5e: {  	_ =	shalt  }
0x5f: {  	_ =	shalt  }
0x60: {  	_ =	shalt  }
0x61: {  	_ =	shalt  }
0x62: {  	_ =	shalt  }
0x63: {  	_ =	shalt  }
0x64: {  	_ =	shalt  }
0x65: {  	_ =	shalt  }
0x66: {  	_ =	shalt  }
0x67: {  	_ =	shalt  }
0x68: {  	_ =	shalt  }
0x69: {  	_ =	shalt  }
0x6a: {  	_ =	shalt  }
0x6b: {  	_ =	shalt  }
0x6c: {  	_ =	shalt  }
0x6d: {  	_ =	shalt  }
0x6e: {  	_ =	shalt  }
0x6f: {  	_ =	shalt  }
0x70: {  	_ =	shalt  }
0x71: {  	_ =	shalt  }
0x72: {  	_ =	shalt  }
0x73: {  	_ =	shalt  }
0x74: {  	_ =	shalt  }
0x75: {  	_ =	shalt  }
0x76: {  	_ =	shalt  }
0x77: {  	_ =	shalt  }
0x78: {  	_ =	shalt  }
0x79: {  	_ =	shalt  }
0x7a: {  	_ =	shalt  }
0x7b: {  	_ =	shalt  }
0x7c: {  	_ =	shalt  }
0x7d: {  	_ =	shalt  }
0x7e: {  	_ =	shalt  }
0x7f: {  	_ =	shalt  }
0x80: {  	_ =	shalt  }
0x81: {  	_ =	shalt  }
0x82: {  	_ =	shalt  }
0x83: {  	_ =	shalt  }
0x84: {  	_ =	shalt  }
0x85: {  	_ =	shalt  }
0x86: {  	_ =	shalt  }
0x87: {  	_ =	shalt  }
.Lfunc_end0:
.L_simem_size_0:
called_computation_lowered:
.L_overlay_start_0:
0x88: {  	s2 =	sld [smem:$0x3FD9]  }
0x89: {  	s3 =	sld [smem:$0x3FFE];
	_ =	sdelay $0x1  }
0x8a: {  	s1 =	srdreg.scid  }
0x8b: {  	s0 =	sand.u32 $0x1, s1  }
0x8c: {  	s17 =	sshll.u32 s0, $0xA;
	s2 =	sadd.s32 s3, s2  }
0x8d: {  	s2 =	sadd.s32 s2, s17  }
0x8e: {  	[smem:$0x3FC6] =	sst s2  }
0x8f: {  	_ = 	snop  }
0x90: {  	s2 =	sld [smem:$0x3FC8]  }
0x91: {  	s18 =	sld [smem:$0x3FD0];
	(tm) =	ssettm $0x1  }
0x92: {  	s4 =	sld [smem:$0x3FFB];
	_ =	sdelay $0x3  }
0x93: {  	_ =	strace s4  }
0x94: {  	s4 =	sld [smem:$0x3FFC];
	_ =	sdelay $0x3  }
0x95: {  	_ =	strace s4  }
0x96: {  	s4 =	sld [smem:$0x3FFD];
	_ =	sdelay $0x3  }
0x97: {  	_ =	strace s4  }
0x98: {  	_ =	strace $0x8FFFFFFF  }
0x99: {  	s19 =	sld [smem:$0x3FDB];
	_ =	sdelay $0x1  }
0x9a: {  	s5 =	simm.s32 $_scs_section_size  }
0x9b: {  	s6 =	simm.s32 $_size__tile_overlayer_lowered;
	s7 =	simm.s32 $_tile_overlayer_lowered  }
0x9c: {  	s22 =	simm.s32 $0x1BFF;
	s21 =	sshll.u32 s7, $0x1;
	s4 =	sadd.s32 s5, s19  }
0x9d: {  	s8 =	simm.s32 $0x0;
	s20 =	sshll.u32 s6, $0x1;
	s6 =	sadd.s32 s21, s4  }
0x9e: {  	[timem:s8], [sflag:s22] =	dma.local [hbm:s6], s20  }
0x9f: {  	_ =	swait.ge [sflag:s22], s20  }
0xa0: {  	s5 =	ssub.s32 $0x0, s20;
	[sflag:s22] =	ssyncset.done $0x0  }
0xa1: {  	[sflag:s22] =	ssyncadd.s32 s5;
	_ =	sdelay $0x1  }
0xa2: {  	s23 =	simm.s32 $0x1B8B  }
0xa3: {  	_ =	swait.ge [sflag:s23], $0x1  }
0xa4: {  	[sflag:s23] =	ssyncset.done $0x0  }
0xa5: {  	s25 =	simm.s32 $0x1B8E;
	s24 =	sld [smem:$0x3FFE];
	[sflag:s23] =	ssyncadd.s32 $0xFFFFFFFF  }
0xa6: {  	s26 =	simm.s32 $execute0_lowered;
	[smem:$0x3FD2] =	sst s25  }
0xa7: {  	s6 =	sshll.u32 s26, $0x1;
	_ =	strace $0x80000046;
	[dreg:$0x1] =	wrdreg $0xFFFFFFFF  }
0xa8: {  	s28 =	simm.s32 $_size_execute0_lowered;
	s4 =	sadd.s32 s4, s6;
	[dreg:$0x0] =	wrdreg $0x0  }
0xa9: {  	s6 =	sshll.u32 s28, $0x1;
	[dreg:$0x2] =	wrdreg s4  }
0xaa: {  	[dreg:$0x3] =	wrdreg s6  }
0xab: {  	[dreg:$0x4] =	wrdreg $0xC0  }
0xac: {  	_ =	task [dreg:s8], $0x5FFFF  }
0xad: {  	[dreg:$0x1] =	wrdreg $0xFFFFFFFF  }
0xae: {  	[dreg:$0x0] =	wrdreg $0x60  }
0xaf: {  	[dreg:$0x2] =	wrdreg s24  }
0xb0: {  	[dreg:$0x3] =	wrdreg s2  }
0xb1: {  	[dreg:$0x4] =	wrdreg s18  }
0xb2: {  	[dreg:$0x5] =	wrdreg $0x9  }
0xb3: {  	_ =	task.clear_ibuf [dreg:s8], $0x6FFFF;
	_ =	strace $0x90000046  }
0xb4: {  	s29 =	simm.s32 $0x9;
	_ =	strace $0x80000048  }
0xb5: {  	_ =	swait.ge [sflag:s29], $0x1  }
0xb6: {  	[sflag:s29] =	ssyncadd.s32 $0xFFFFFFFF  }
0xb7: {  	_ =	strace $0x90000048  }
0xb8: {  	_ =	sfence  }
0xb9: {  	s30 =	sld [smem:$0x0];
	_ =	sdelay $0x2  }
0xba: {  	s31 =	sshll.u32 s1, $0xD;
	s1 =	sshrl.u32 s1, $0x2  }
0xbb: {  	s3 =	sand.u32 $0x4000, s31;
	s1 =	sadd.s32 s1, s30  }
0xbc: {  	s0 =	sor.u32 s3, s0;
	s1 =	sshll.u32 s1, $0x11  }
0xbd: {  	s0 =	sor.u32 s1, s0  }
0xbe: {  	s0 =	sadd.s32 $0x8F2B, s0  }
0xbf: {  	[sflag:s0] =	ssyncadd.remote.s32 $0x1  }
0xc0: {  	_ =	sfence.sel $0xFFFF  }
0xc1: {  	[dreg:$0x0] =	wrdreg $0xFFFFFFFF;
	(pc) =	sbr.abs _section_cstart, $3  }
0xc2: {  	[dreg:$0x1] =	wrdreg $0xFFFFFFFF  }
0xc3: {  	_ =	task.clear_ibuf [dreg:s8], $0x2FFFF;
	_ =	strace $0x9FFFFFFF  }
0xc4: {  	(tm) =	ssettm $0x7FFFFFFF  }
0xc5: {  	_ =	shalt  }
tec
execute0_lowered:
.L_overlay_start_1:
0x0: {  	(tag) =	ssettag $0x1  }
0x1: {  	s0 =	rddreg [dreg:$0x0]  }
0x2: {  	s1 =	srdreg.scid;
	s5 =	rddreg [dreg:$0x1]  }
0x3: {  	s3 =	stileid.u32;
	s2 =	rddreg [dreg:$0x2];
	s12 =	simm.s32 $0x5  }
0x4: {  	s13 =	simm.s32 $0x200;
	s14 =	simm.s32 $0x400;
	s16 =	simm.s32 $0x14200  }
0x5: {  	s17 =	simm.s32 $0x4080;
	s18 =	simm.s32 $0x1;
	s19 =	simm.s32 $0xC180  }
0x6: {  	s20 =	simm.s32 $0x8100;
	s21 =	simm.s32 $0x3;
	s22 =	simm.s32 $0x2  }
0x7: {  	s23 =	simm.s32 $0x4;
	s24 =	simm.s32 $0x0;
	s1 =	sand.u32 $0x1, s1  }
0x8: {  	s4 =	sshll.u32 s3, $0x9;
	s3 =	simm.s32 $0x0;
	s0 =	sadd.s32 $0x400, s0  }
0x9: {  	s6 =	sshll.u32 s1, $0x8;
	[smem:$0x7FF] =	sst s3;
	s1 =	ssub.s32 $0x2, s1  }
.Ltmp0:
0xa: {  	s4 =	sor.u32 s6, s4;
	_ =	strace $0x80000047;
	(pc) =	sbr.rel .LBB2_1-.Ltmp0, $4  }
0xb: {  	s7 =	sshrl.u32 s1, $0x1;
	[dreg:$0x4] =	wrdreg s0;
	s6 =	sshll.u32 s4, $0xA  }
0xc: {  	s29 =	ssub.s32 s1, s7;
	s31 =	sadd.s32 $0x100, s4;
	s5 =	sadd.s32 s5, s6  }
0xd: {  	v2 =	vlaneseq.u32;
	v3 =	vimm.s32 $0x0;
	s11 =	ssub.s32 $0x0, s4;
	s10 =	smax.u32 s29, $0x1;
	s30 =	sadd.s32 $0x40, s5  }
0xe: {  	v4 =	vimm.s32 $0x1;
	v0 =	vmov s4;
	v1 =	vmov s31;
	s8 =	sadd.s32 $0x2000, s5;
	s9 =	sadd.s32 $0x2040, s5;
	[dreg:$0x5] =	wrdreg s30  }
.LBB2_35:
0xf: {  	s24 =	sadd.s32 $0x1, s24  }
0x10: {  	p0 =	sne.s32 s24, s10  }
.Ltmp1:
0x11: {  	_ = 	snop;
	(pc) =	sbr.rel @!p0 .LBB2_36-.Ltmp1, $1  }
0x12: {  	_ =	sdelay $0x3  }
.LBB2_1:
0x13: {  	s0 =	rddreg [dreg:$0x4]  }
0x14: {  	[tilespmem:s3], [sflag:$0x5] =	stream.linear.gather [hbm4b:s0+s3], $0x4000, $0x38;
	[tilespmem:$0x1C200] =	vst v63  }
0x15: {  	_ =	swait.ge [sflag:s12], $0x4000  }
0x16: {  	[sflag:s12] =	ssyncset.done $0x0  }
0x17: {  	s15 =	simm.s32 $0xC200;
	[sflag:s12] =	ssyncadd.s32 $0xFFFFC000  }
0x18: {  	[tilespmem:s15], [sflag:$0x1] =	stream.strided.gather [hbm4b:s5+s13], $0x8000, s14, s13, $0x38;
	[tilespmem:$0x1C200] =	vst v63  }
0x19: {  	s26 =	simm.s32 $0x10;
	s25 =	rddreg [dreg:$0x5]  }
0x1a: {  	[tilespmem:s16], [sflag:$0x2] =	stream.strided.gather [hbm4b:s25+s13], $0x8000, s14, s13, $0x38;
	[tilespmem:$0x1C200] =	vst v63  }
0x1b: {  	v5 =	vld [tilespmem:s26+$0xFFFFFFF0];
	_ =	sdelay $0x4  }
0x1c: {  	vm0 =	vge.s32 v5, v0;
	vm1 =	vlt.s32 v5, v1  }
0x1d: {  	vm0 =	vmand vm0, vm1  }
0x1e: {  	v6 =	vsel vm0, $0x1, v3  }
0x1f: {  	(xrf0) =	vadd.scan.msk.s32 $0xffff, v6;
	_ =	sdelay $0x2  }
0x20: {  	v6 =	vmov s3  }
0x21: {  	v6 =	vadd.s32 $0xFFFFFFFF, v6  }
0x22: {  	v6 =	vbroadcast v6, $0x0  }
0x23: {  	v7, _, _ =	vpop (xrf0)  }
0x24: {  	v6 =	vadd.s32 v7, v6;
	(v2sf) =	vpush v7, $0xF;
	_ =	sdelay $0x1  }
0x25: {  	s1 =	simm.s32 $0x0;
	v5 =	vshll.u32 v5, $0xE  }
0x26: {  	v5 =	vadd.s32 s1, v5  }
0x27: {  	v5 =	vadd.s32 v2, v5  }
0x28: {  	[tilespmem:v6+s17+$0x0] =	vst.idx.msk vm0, v5  }
0x29: {  	v5 =	vld [tilespmem:s26+$0x0];
	_ =	sdelay $0x4  }
0x2a: {  	vm0 =	vge.s32 v5, v0;
	vm1 =	vlt.s32 v5, v1  }
0x2b: {  	vm0 =	vmand vm0, vm1  }
0x2c: {  	v6 =	vsel vm0, $0x1, v3  }
0x2d: {  	(xrf0) =	vadd.scan.msk.s32 $0xffff, v6  }
0x2e: {  	s30 =	spop (v2sf)  }
0x2f: {  	s29 =	sadd.s32 $0x0, s30  }
0x30: {  	v6 =	vmov s29  }
0x31: {  	v6 =	vadd.s32 $0xFFFFFFFF, v6  }
0x32: {  	v6 =	vbroadcast v6, $0x0  }
0x33: {  	v7, _, _ =	vpop (xrf0)  }
0x34: {  	(v2sf) =	vpush v7, $0xF;
	v6 =	vadd.s32 v7, v6;
	_ =	sdelay $0x1  }
0x35: {  	v5 =	vshll.u32 v5, $0xE  }
0x36: {  	v5 =	vadd.s32 s26, v5  }
0x37: {  	v5 =	vadd.s32 v2, v5  }
0x38: {  	s26 =	simm.s32 $0x30;
	[tilespmem:v6+s17+$0x0] =	vst.idx.msk vm0, v5  }
0x39: {  	v5 =	vld [tilespmem:s26+$0xFFFFFFF0];
	_ =	sdelay $0x4  }
0x3a: {  	vm0 =	vge.s32 v5, v0;
	vm1 =	vlt.s32 v5, v1  }
0x3b: {  	vm0 =	vmand vm0, vm1  }
0x3c: {  	v6 =	vsel vm0, $0x1, v3  }
0x3d: {  	s31 =	simm.s32 $0x20;
	v5 =	vshll.u32 v5, $0xE;
	(xrf0) =	vadd.scan.msk.s32 $0xffff, v6  }
0x3e: {  	s28 =	simm.s32 $0x30;
	s25 =	simm.s32 $0x2;
	v5 =	vadd.s32 s31, v5;
	s0 =	spop (v2sf)  }
.LBB2_2:
0x3f: {  	s25 =	sadd.s32 $0x2, s25;
	s0 =	sadd.s32 s29, s0  }
0x40: {  	p0 =	slt.u32 s25, $0x3FE;
	v6 =	vmov s0  }
0x41: {  	v6 =	vadd.s32 $0xFFFFFFFF, v6  }
0x42: {  	v6 =	vbroadcast v6, $0x0  }
0x43: {  	v7, _, _ =	vpop (xrf0)  }
0x44: {  	v6 =	vadd.s32 v7, v6;
	(v2sf) =	vpush v7, $0xF;
	_ =	sdelay $0x3  }
0x45: {  	v5 =	vadd.s32 v2, v5  }
0x46: {  	[tilespmem:v6+s17+$0x0] =	vst.idx.msk vm0, v5  }
0x47: {  	v5 =	vld [tilespmem:s26+$0x0];
	_ =	sdelay $0x4  }
0x48: {  	vm0 =	vge.s32 v5, v0;
	vm1 =	vlt.s32 v5, v1;
	v5 =	vshll.u32 v5, $0xE  }
0x49: {  	vm0 =	vmand vm0, vm1;
	v5 =	vadd.s32 s28, v5  }
0x4a: {  	v6 =	vsel vm0, $0x1, v3  }
0x4b: {  	(xrf0) =	vadd.scan.msk.s32 $0xffff, v6  }
0x4c: {  	s1 =	spop (v2sf)  }
0x4d: {  	s29 =	sadd.s32 s0, s1  }
0x4e: {  	v6 =	vmov s29  }
0x4f: {  	v6 =	vadd.s32 $0xFFFFFFFF, v6  }
0x50: {  	v6 =	vbroadcast v6, $0x0  }
0x51: {  	v7, _, _ =	vpop (xrf0)  }
0x52: {  	v6 =	vadd.s32 v7, v6;
	(v2sf) =	vpush v7, $0xF;
	_ =	sdelay $0x3  }
0x53: {  	v5 =	vadd.s32 v2, v5  }
0x54: {  	s26 =	sadd.s32 $0x20, s26;
	[tilespmem:v6+s17+$0x0] =	vst.idx.msk vm0, v5  }
0x55: {  	v5 =	vld [tilespmem:s26+$0xFFFFFFF0];
	_ =	sdelay $0x3  }
0x56: {  	s28 =	sadd.s32 $0x20, s28  }
.Ltmp2:
0x57: {  	s0 =	sadd.s32 $0xFFFFFFF0, s28;
	vm0 =	vge.s32 v5, v0;
	vm1 =	vlt.s32 v5, v1;
	v5 =	vshll.u32 v5, $0xE;
	(pc) =	sbr.rel @p0 .LBB2_2-.Ltmp2, $4  }
0x58: {  	vm0 =	vmand vm0, vm1;
	v5 =	vadd.s32 s0, v5  }
0x59: {  	v6 =	vsel vm0, $0x1, v3  }
0x5a: {  	(xrf0) =	vadd.scan.msk.s32 $0xffff, v6  }
0x5b: {  	s0 =	spop (v2sf)  }
0x5c: {  	s25 =	sadd.s32 s29, s0  }
0x5d: {  	v6 =	vmov s25  }
0x5e: {  	v6 =	vadd.s32 $0xFFFFFFFF, v6  }
0x5f: {  	v6 =	vbroadcast v6, $0x0  }
0x60: {  	v7, _, _ =	vpop (xrf0)  }
0x61: {  	v6 =	vadd.s32 v7, v6;
	_ =	sdelay $0x3  }
0x62: {  	v5 =	vadd.s32 v2, v5  }
0x63: {  	[tilespmem:v6+s17+$0x0] =	vst.idx.msk vm0, v5  }
0x64: {  	v5 =	vld [tilespmem:s26+$0x0];
	_ =	sdelay $0x4  }
0x65: {  	vm15 =	vge.s32 v5, v0;
	vm1 =	vlt.s32 v5, v1  }
0x66: {  	vm0 =	vmand vm15, vm1  }
0x67: {  	v6 =	vsel vm0, $0x1, v3  }
0x68: {  	(xrf0) =	vadd.scan.msk.s32 $0xffff, v6;
	_ =	sdelay $0x5  }
0x69: {  	(v2sf) =	vpush v7, $0xF;
	v6, _, _ =	vpop (xrf0)  }
0x6a: {  	(v2sf) =	vpush v6, $0xF;
	_ =	sdelay $0xd  }
0x6b: {  	v5 =	vshll.u32 v5, $0xE;
	s26 =	spop (v2sf)  }
0x6c: {  	v5 =	vadd.s32 s28, v5;
	s0 =	sadd.s32 s25, s26;
	s28 =	spop (v2sf)  }
0x6d: {  	v7 =	vmov s0;
	s29 =	sadd.s32 s0, s28  }
0x6e: {  	v7 =	vadd.s32 $0xFFFFFFFF, v7;
	s0 =	sadd.s32 $0xF, s29  }
0x6f: {  	v7 =	vbroadcast v7, $0x0;
	s1 =	sand.u32 $0xF, s0  }
0x70: {  	s31 =	sshra.s32 s0, $0x1F;
	p1 =	slt.s32 s0, $0x1;
	p0 =	sne.s32 s1, $0x0  }
0x71: {  	v6 =	vadd.s32 v6, v7;
	s1 =	sshrl.u32 s31, $0x1C;
	p0 =	por !p1, !p0  }
0x72: {  	s0 =	sadd.s32 s1, s0;
	s1 =	simm.s32 $0x1;
	p0 =	por !p0, !p0  }
0x73: {  	s0 =	sshra.s32 s0, $0x4;
	s1 =	simm.s32 @!p0 $0x0  }
0x74: {  	s0 =	ssub.s32 s0, s1  }
0x75: {  	v5 =	vadd.s32 v2, v5;
	p0 =	sgt.s32 s0, $0x0  }
.Ltmp3:
0x76: {  	[tilespmem:v6+s17+$0x0] =	vst.idx.msk vm0, v5;
	(pc) =	sbr.rel @!p0 .LBB2_4-.Ltmp3, $4  }
0x77: {  	[tilespmem:$0xC180] =	vst v3  }
0x78: {  	[tilespmem:$0xC190] =	vst v3  }
0x79: {  	[tilespmem:$0xC1A0] =	vst v3  }
0x7a: {  	[tilespmem:$0xC1B0] =	vst v3  }
0x7b: {  	p1 =	seq.s32 s0, $0x1  }
.Ltmp4:
0x7c: {  	_ = 	snop;
	(pc) =	sbr.rel @p1 .LBB2_30-.Ltmp4, $3  }
0x7d: {  	_ =	sdelay $0x1  }
0x7e: {  	s1 =	simm.s32 $0x4080  }
0x7f: {  	v5 =	vmov s29;
	s30 =	simm.s32 $0x0;
	s0 =	sadd.s32 $0xFFFFFFFF, s0;
	p0 =	por $0x0, $0x0;
	v6 =	vld [tilespmem:s1+$0x0]  }
0x80: {  	_ =	sdelay $0x3  }
0x81: {  	v7 =	vshra.s32 v6, $0x1F;
	v8 =	vand.u32 $0x3FFF, v6  }
0x82: {  	vm0 =	vlt.s32 v6, $0x1;
	v7 =	vshrl.u32 v7, $0x12;
	vm1 =	vne.s32 v8, $0x0  }
0x83: {  	v6 =	vadd.s32 v7, v6;
	vm0 =	vmand vm0, vm1  }
0x84: {  	v6 =	vshra.s32 v6, $0xE;
	v7 =	vsel vm0, $0xFFFFFFFF, v3  }
0x85: {  	v6 =	vadd.s32 v7, v6  }
0x86: {  	v7 =	vsub.s32 v6, v0;
	vm12 =	vne.s32 v6, v0  }
0x87: {  	v8 =	vshra.s32 v7, $0x1F;
	v9 =	vsel vm12, $0x1, v3  }
0x88: {  	v6 =	vand.u32 $0x3, v6;
	v9 =	vor.u32 v9, v8  }
0x89: {  	vm14 =	vne.s32 v6, $0x0;
	v8 =	vshrl.u32 v8, $0x1E;
	vm13 =	vne.s32 v9, $0x1  }
0x8a: {  	v6 =	vadd.s32 v8, v7;
	vm0 =	vmand vm14, vm13  }
0x8b: {  	v6 =	vshra.s32 v6, $0x2;
	v7 =	vsel vm0, $0xFFFFFFFF, v3  }
0x8c: {  	v8 =	vor.u32 s30, v2;
	v6 =	vadd.s32 v7, v6  }
0x8d: {  	vm15 =	vlt.s32 v8, v5;
	v6 =	vadd.s32 $0x1, v6  }
0x8e: {  	v6 =	vnsel vm15, $0x3F, v6  }
0x8f: {  	p1 =	seq.s32 s0, $0x1  }
.Ltmp5:
0x90: {  	_ = 	snop;
	(pc) =	sbr.rel @p1 .LBB2_32-.Ltmp5, $3  }
0x91: {  	_ =	sdelay $0x1  }
0x92: {  	s1 =	simm.s32 $0x4090;
	[tilespmem:v6+s19+$0x0] =	vst.idx.add.s32.msk vm15, v4  }
0x93: {  	s0 =	sadd.s32 $0xFFFFFFFF, s0;
	p0 =	por $0x1, $0x1;
	s31 =	simm.s32 $0x0;
	v6 =	vld [tilespmem:s1+$0x0]  }
.LBB2_33:
0x94: {  	p1 =	seq.s32 s0, $0x1;
	_ =	sdelay $0x3  }
0x95: {  	v7 =	vshra.s32 v6, $0x1F;
	v8 =	vand.u32 $0x3FFF, v6  }
0x96: {  	vm0 =	vlt.s32 v6, $0x1;
	v7 =	vshrl.u32 v7, $0x12;
	vm1 =	vne.s32 v8, $0x0  }
0x97: {  	v6 =	vadd.s32 v7, v6;
	vm0 =	vmand vm0, vm1  }
0x98: {  	v6 =	vshra.s32 v6, $0xE;
	v7 =	vsel vm0, $0xFFFFFFFF, v3  }
0x99: {  	v6 =	vadd.s32 v7, v6  }
0x9a: {  	v7 =	vsub.s32 v6, v0;
	vm0 =	vne.s32 v6, v0  }
0x9b: {  	v8 =	vshra.s32 v7, $0x1F;
	v9 =	vsel vm0, $0x1, v3  }
0x9c: {  	v6 =	vand.u32 $0x3, v6;
	v9 =	vor.u32 v9, v8  }
0x9d: {  	vm1 =	vne.s32 v6, $0x0;
	v8 =	vshrl.u32 v8, $0x1E;
	vm0 =	vne.s32 v9, $0x1  }
0x9e: {  	v6 =	vadd.s32 v8, v7;
	vm0 =	vmand vm1, vm0  }
0x9f: {  	s31 =	sadd.s32 $0x10, s31;
	v6 =	vshra.s32 v6, $0x2;
	v7 =	vsel vm0, $0xFFFFFFFF, v3  }
0xa0: {  	v8 =	vor.u32 s31, v2;
	v6 =	vadd.s32 v7, v6  }
0xa1: {  	vm0 =	vlt.s32 v8, v5;
	v6 =	vadd.s32 $0x1, v6  }
0xa2: {  	v6 =	vnsel vm0, $0x3F, v6;
	_ =	sdelay $0x1  }
.Ltmp6:
0xa3: {  	(pc) =	sbr.rel @!p1 .LBB2_33-.Ltmp6, $3  }
0xa4: {  	_ =	sdelay $0x1  }
0xa5: {  	s1 =	sadd.s32 $0x10, s1;
	[tilespmem:v6+s19+$0x0] =	vst.idx.add.s32.msk vm0, v4  }
0xa6: {  	s0 =	sadd.s32 $0xFFFFFFFF, s0;
	v6 =	vld [tilespmem:s1+$0x0]  }
.LBB2_34:
0xa7: {  	_ =	sdelay $0x3  }
0xa8: {  	v7 =	vshra.s32 v6, $0x1F;
	v8 =	vand.u32 $0x3FFF, v6  }
0xa9: {  	vm0 =	vlt.s32 v6, $0x1;
	v7 =	vshrl.u32 v7, $0x12;
	vm1 =	vne.s32 v8, $0x0  }
0xaa: {  	v6 =	vadd.s32 v7, v6;
	vm0 =	vmand vm0, vm1  }
0xab: {  	v6 =	vshra.s32 v6, $0xE;
	v7 =	vsel vm0, $0xFFFFFFFF, v3  }
0xac: {  	v6 =	vadd.s32 v7, v6  }
0xad: {  	v7 =	vsub.s32 v6, v0;
	vm12 =	vne.s32 v6, v0  }
0xae: {  	v62 =	vshra.s32 v7, $0x1F;
	v9 =	vsel vm12, $0x1, v3  }
0xaf: {  	v6 =	vand.u32 $0x3, v6;
	v9 =	vor.u32 v9, v62  }
0xb0: {  	vm14 =	vne.s32 v6, $0x0;
	v8 =	vshrl.u32 v62, $0x1E;
	vm13 =	vne.s32 v9, $0x1  }
0xb1: {  	s0 =	sadd.s32 @p0 $0x10, s31;
	v6 =	vadd.s32 v8, v7;
	vm0 =	vmand vm14, vm13  }
0xb2: {  	s30 =	smov.u32 @p0 s0;
	v6 =	vshra.s32 v6, $0x2;
	v7 =	vsel vm0, $0xFFFFFFFF, v3  }
0xb3: {  	v63 =	vor.u32 s30, v2;
	v6 =	vadd.s32 v7, v6  }
0xb4: {  	vm15 =	vlt.s32 v63, v5;
	v5 =	vadd.s32 $0x1, v6  }
0xb5: {  	v5 =	vnsel vm15, $0x3F, v5;
	_ =	sdelay $0x4  }
0xb6: {  	[tilespmem:v5+s19+$0x0] =	vst.idx.add.s32.msk vm15, v4  }
.LBB2_4:
0xb7: {  	s1 =	simm.s32 $0xC181  }
0xb8: {  	s0 =	simm.s32 $0x1;
	s30 =	simm.s32 $0x2;
	v5 =	vld.msk [tilespmem:s1+$0xFFFFFFFF ss:$0x0], $0xffff  }
.LBB2_5:
0xb9: {  	p0 =	seq.s32 s30, $0x40;
	v6 =	vld [tilespmem:s1+$0x0]  }
0xba: {  	v7 =	vmov s0;
	s0 =	smov.u32 s30;
	_ =	sdelay $0x1  }
.Ltmp7:
0xbb: {  	(pc) =	sbr.rel @!p0 .LBB2_5-.Ltmp7, $4  }
0xbc: {  	_ = 	snop  }
0xbd: {  	v5 =	vadd.s32 v5, v6  }
0xbe: {  	s1 =	sadd.s32 $0x1, s1;
	[tilespmem:v7+s19+$0x0] =	vst.idx.msk $0x1, v5  }
0xbf: {  	s30 =	sadd.s32 $0x1, s30;
	v5 =	vld.msk [tilespmem:s1+$0xFFFFFFFF ss:$0x0], $0xffff  }
0xc0: {  	v6 =	vld [tilespmem:s1+$0x0]  }
0xc1: {  	v7 =	vmov s0;
	p0 =	slt.s32 s29, $0x1  }
.Ltmp8:
0xc2: {  	_ = 	snop;
	(pc) =	sbr.rel @p0 .LBB2_10-.Ltmp8, $3  }
0xc3: {  	_ =	sdelay $0x1  }
0xc4: {  	v5 =	vadd.s32 v5, v6  }
0xc5: {  	[tilespmem:v7+s19+$0x0] =	vst.idx.msk $0x1, v5  }
0xc6: {  	s0 =	sadd.s32 s28, s26  }
0xc7: {  	s0 =	sadd.s32 s25, s0  }
0xc8: {  	p0 =	sne.s32 s0, $0x1  }
.Ltmp9:
0xc9: {  	_ = 	snop;
	(pc) =	sbr.rel @!p0 .LBB2_9-.Ltmp9, $4  }
0xca: {  	_ = 	snop  }
0xcb: {  	s25 =	simm.s32 $0x4080  }
0xcc: {  	v5 =	vld [tilespmem:s25+$0x0]  }
0xcd: {  	s26 =	sadd.s32 $0xFFFFFFFF, s0  }
.LBB2_8:
0xce: {  	p0 =	sne.s32 s26, $0x1;
	_ =	sdelay $0x2  }
0xcf: {  	(v2sf) =	vpush v5, $0x0;
	_ =	sdelay $0xe  }
0xd0: {  	s0 =	spop (v2sf)  }
0xd1: {  	s1 =	sand.u32 $0x3FFF, s0  }
0xd2: {  	s6 =	sshra.s32 s0, $0x1F;
	p1 =	slt.s32 s0, $0x1;
	p2 =	sne.s32 s1, $0x0  }
0xd3: {  	s1 =	sshrl.u32 s6, $0x12;
	p1 =	por !p1, !p2  }
0xd4: {  	s0 =	sadd.s32 s1, s0;
	s1 =	simm.s32 $0x1;
	p1 =	por !p1, !p1  }
0xd5: {  	s0 =	sshra.s32 s0, $0xE;
	s1 =	simm.s32 @!p1 $0x0  }
0xd6: {  	s0 =	ssub.s32 s0, s1  }
0xd7: {  	s7 =	simm.s32 $0x1;
	s1 =	ssub.s32 s0, s4;
	p1 =	sne.s32 s0, s4  }
0xd8: {  	s6 =	sshra.s32 s1, $0x1F;
	s7 =	simm.s32 @!p1 $0x0  }
0xd9: {  	s0 =	sand.u32 $0x3, s0;
	s7 =	sor.u32 s7, s6  }
0xda: {  	p2 =	sne.s32 s0, $0x0;
	p1 =	sne.s32 s7, $0x1  }
0xdb: {  	s0 =	sshrl.u32 s6, $0x1E;
	p1 =	por !p2, !p1  }
0xdc: {  	s0 =	sadd.s32 s0, s1;
	s1 =	simm.s32 $0x1;
	p1 =	por !p1, !p1  }
0xdd: {  	s0 =	sshra.s32 s0, $0x2;
	s1 =	simm.s32 @!p1 $0x0  }
0xde: {  	s0 =	ssub.s32 s0, s1  }
0xdf: {  	v6 =	vld [tilespmem:s0+$0xC180];
	_ =	sdelay $0x4  }
0xe0: {  	v7 =	vbroadcast v6, $0x0;
	_ =	sdelay $0x1  }
0xe1: {  	v8 =	vmov s0;
	_ =	sdelay $0x2  }
.Ltmp10:
0xe2: {  	(pc) =	sbr.rel @p0 .LBB2_8-.Ltmp10, $4  }
0xe3: {  	[tilespmem:v7+s20+$0x0] =	vst.idx.msk $0x1, v5;
	v5 =	vadd.s32 $0x1, v6  }
0xe4: {  	s25 =	sadd.s32 $0x1, s25;
	[tilespmem:v8+s19+$0x0] =	vst.idx.msk $0x1, v5  }
0xe5: {  	v5 =	vld [tilespmem:s25+$0x0]  }
0xe6: {  	s26 =	sadd.s32 $0xFFFFFFFF, s26  }
.LBB2_9:
0xe7: {  	_ =	sdelay $0x2  }
0xe8: {  	(v2sf) =	vpush v5, $0x0;
	_ =	sdelay $0xe  }
0xe9: {  	s0 =	spop (v2sf)  }
0xea: {  	s1 =	sand.u32 $0x3FFF, s0  }
0xeb: {  	s6 =	sshra.s32 s0, $0x1F;
	p0 =	slt.s32 s0, $0x1;
	p1 =	sne.s32 s1, $0x0  }
0xec: {  	s30 =	sshrl.u32 s6, $0x12;
	p0 =	por !p0, !p1  }
0xed: {  	s1 =	simm.s32 $0x1;
	s0 =	sadd.s32 s30, s0;
	p0 =	por !p0, !p0  }
0xee: {  	s0 =	sshra.s32 s0, $0xE;
	s1 =	simm.s32 @!p0 $0x0  }
0xef: {  	s0 =	ssub.s32 s0, s1  }
0xf0: {  	s6 =	simm.s32 $0x1;
	s1 =	ssub.s32 s0, s4;
	p0 =	sne.s32 s0, s4  }
0xf1: {  	s7 =	sshra.s32 s1, $0x1F;
	s6 =	simm.s32 @!p0 $0x0  }
0xf2: {  	s0 =	sand.u32 $0x3, s0;
	s6 =	sor.u32 s6, s7  }
0xf3: {  	p6 =	sne.s32 s0, $0x0;
	p5 =	sne.s32 s6, $0x1  }
0xf4: {  	s31 =	sshrl.u32 s7, $0x1E;
	p0 =	por !p6, !p5  }
0xf5: {  	s0 =	sadd.s32 s31, s1;
	s1 =	simm.s32 $0x1;
	p0 =	por !p0, !p0  }
0xf6: {  	s0 =	sshra.s32 s0, $0x2;
	s1 =	simm.s32 @!p0 $0x0  }
0xf7: {  	s0 =	ssub.s32 s0, s1  }
0xf8: {  	v6 =	vld [tilespmem:s0+$0xC180];
	_ =	sdelay $0x4  }
0xf9: {  	v7 =	vbroadcast v6, $0x0;
	_ =	sdelay $0x1  }
0xfa: {  	v8 =	vmov s0;
	_ =	sdelay $0x3  }
0xfb: {  	[tilespmem:v7+s20+$0x0] =	vst.idx.msk $0x1, v5;
	v5 =	vadd.s32 $0x1, v6  }
0xfc: {  	[tilespmem:v8+s19+$0x0] =	vst.idx.msk $0x1, v5  }
.LBB2_10:
0xfd: {  	s28 =	simm.s32 $0x0;
	s25 =	smov.u32 s11;
	s26 =	simm.s32 $0x0  }
.LBB2_11:
0xfe: {  	_ =	swait.ge [sflag:s18], $0x8000  }
0xff: {  	s0 =	sshll.u32 s26, $0x1;
	[sflag:s18] =	ssyncset.done $0x0  }
0x100: {  	s30 =	sand.u32 $0x3FFFFFFE, s0;
	[sflag:s18] =	ssyncadd.s32 $0xFFFF8000  }
0x101: {  	v5 =	vld [tilespmem:s30+$0xC180];
	_ =	sdelay $0x4  }
0x102: {  	(v2sf) =	vpush v5, $0x0;
	_ =	sdelay $0xe  }
0x103: {  	s29 =	spop (v2sf)  }
0x104: {  	s31 =	ssub.s32 s29, s28  }
0x105: {  	p0 =	slt.s32 s31, $0x1  }
.Ltmp11:
0x106: {  	_ = 	snop;
	(pc) =	sbr.rel @p0 .LBB2_19-.Ltmp11, $1  }
0x107: {  	_ =	sdelay $0x3  }
0x108: {  	s1 =	sadd.s32 $0x8100, s28  }
0x109: {  	s0 =	simm.s32 $0x0;
	v5 =	vmov s1  }
.LBB2_13:
0x10a: {  	_ =	sdelay $0x3  }
0x10b: {  	v6 =	vld.idx.msk [tilespmem:v5+s0+$0x0 ss:$0x1], $0xffff;
	_ =	sdelay $0x4  }
0x10c: {  	(v2sf) =	vpush v6, $0x0;
	_ =	sdelay $0xe  }
0x10d: {  	s1 =	spop (v2sf)  }
0x10e: {  	s6 =	sshra.s32 s1, $0x1F  }
0x10f: {  	s6 =	sshrl.u32 s6, $0x12  }
0x110: {  	s6 =	sadd.s32 s6, s1  }
0x111: {  	s7 =	sand.u32 $0xFFFFC000, s6  }
0x112: {  	p1 =	slt.s32 s1, $0x1;
	p0 =	sne.s32 s1, s7  }
0x113: {  	s6 =	sshra.s32 s6, $0xE;
	p0 =	por !p1, !p0  }
0x114: {  	s1 =	ssub.s32 s1, s7;
	s7 =	simm.s32 $0x1;
	p0 =	por !p0, !p0  }
0x115: {  	s28 =	sadd.s32 s6, s25;
	s15 =	sshll.u32 s1, $0xD;
	s7 =	simm.s32 @!p0 $0x0  }
0x116: {  	s1 =	sshll.u32 s1, $0x7;
	s28 =	ssub.s32 s28, s7;
	s6 =	ssub.s32 s6, s7  }
0x117: {  	s15 =	sand.u32 $0x7FF0000, s15;
	s7 =	sshll.u32 s28, $0xF;
	s6 =	sand.u32 $0x3, s6  }
0x118: {  	s1 =	sand.u32 $0x380, s1;
	s7 =	sand.u32 $0xFFFE0000, s7;
	s6 =	sshll.u32 s6, $0x9  }
0x119: {  	s1 =	sor.u32 s1, s15;
	s6 =	sor.u32 s6, s7  }
0x11a: {  	s1 =	sshrl.u32 s1, $0x3;
	s6 =	sshra.s32 s6, $0x2  }
0x11b: {  	s1 =	sadd.s32 s2, s1;
	s28 =	sadd.s32 $0xC200, s6  }
0x11c: {  	s15 =	simm.s32 $0x80;
	s7 =	sadd.s32 $0x0, s1;
	s6 =	sadd.s32 $0x200, s28  }
.LBB2_14:
0x11d: {  	[hbm4b:s7+s3] =	stream.linear.scatter [tilespmem:s28], [sflag:$0x3], $0x80, $0x38;
	[tilespmem:$0x1C200] =	vst v63  }
0x11e: {  	s7 =	smov.u32 s15;
	s28 =	smov.u32 s6;
	p0 =	sne.s32 s15, $0x1F80  }
.Ltmp12:
0x11f: {  	s15 =	sadd.s32 $0x80, s15;
	(pc) =	sbr.rel @p0 .LBB2_14-.Ltmp12, $2  }
0x120: {  	_ =	sdelay $0x2  }
0x121: {  	s6 =	sadd.s32 $0x200, s6;
	s7 =	sadd.s32 s7, s1  }
0x122: {  	s0 =	sadd.s32 $0x1, s0  }
0x123: {  	p0 =	sne.s32 s0, s31  }
.Ltmp13:
0x124: {  	_ = 	snop;
	(pc) =	sbr.rel @p0 .LBB2_13-.Ltmp13, $2  }
0x125: {  	_ =	sdelay $0x2  }
0x126: {  	[hbm4b:s7+s3] =	stream.linear.scatter [tilespmem:s28], [sflag:$0x3], $0x80, $0x38;
	[tilespmem:$0x1C200] =	vst v63  }
0x127: {  	p0 =	sne.s32 s31, $0x1  }
.Ltmp14:
0x128: {  	_ = 	snop;
	(pc) =	sbr.rel @!p0 .LBB2_18-.Ltmp14, $3  }
0x129: {  	_ =	sdelay $0x1  }
0x12a: {  	_ =	swait.ge [sflag:s21], $0x2000  }
0x12b: {  	s0 =	sadd.s32 $0xFFFFFFFF, s31;
	[sflag:s21] =	ssyncset.done $0x0  }
.LBB2_17:
0x12c: {  	p0 =	sne.s32 s0, $0x1;
	s0 =	sadd.s32 $0xFFFFFFFF, s0;
	[sflag:s21] =	ssyncadd.s32 $0xFFFFE000  }
.Ltmp15:
0x12d: {  	(pc) =	sbr.rel @p0 .LBB2_17-.Ltmp15, $3  }
0x12e: {  	_ =	sdelay $0x1  }
0x12f: {  	_ =	swait.ge [sflag:s21], $0x2000  }
0x130: {  	[sflag:s21] =	ssyncset.done $0x0  }
.LBB2_18:
0x131: {  	[sflag:s21] =	ssyncadd.s32 $0xFFFFE000  }
.LBB2_19:
0x132: {  	p0 =	seq.s32 s26, $0x1F  }
0x133: {  	s0 =	sshll.u32 @!p0 s26, $0xD;
	s1 =	simm.s32 @!p0 $0x200  }
0x134: {  	s6 =	simm.s32 @!p0 $0x400;
	s7 =	simm.s32 @!p0 $0xC200;
	s0 =	sadd.s32 @!p0 s0, s8  }
0x135: {  	[tilespmem:s7], [sflag:$0x1] =	stream.strided.gather @!p0 [hbm4b:s0+s1], $0x8000, s6, s1, $0x38;
	[tilespmem:$0x1C200] =	vst v63  }
0x136: {  	_ =	swait.ge [sflag:s22], $0x8000  }
0x137: {  	[sflag:s22] =	ssyncset.done $0x0  }
0x138: {  	[sflag:s22] =	ssyncadd.s32 $0xFFFF8000  }
0x139: {  	v5 =	vld [tilespmem:s30+$0xC181];
	_ =	sdelay $0x4  }
0x13a: {  	(v2sf) =	vpush v5, $0x0;
	_ =	sdelay $0xe  }
0x13b: {  	s28 =	spop (v2sf)  }
0x13c: {  	s1 =	ssub.s32 s28, s29  }
0x13d: {  	p1 =	slt.s32 s1, $0x1  }
.Ltmp16:
0x13e: {  	_ = 	snop;
	(pc) =	sbr.rel @p1 .LBB2_27-.Ltmp16, $1  }
0x13f: {  	_ =	sdelay $0x3  }
0x140: {  	s6 =	sadd.s32 $0x8100, s29  }
0x141: {  	s0 =	simm.s32 $0x0;
	v5 =	vmov s6  }
.LBB2_21:
0x142: {  	_ =	sdelay $0x3  }
0x143: {  	v6 =	vld.idx.msk [tilespmem:v5+s0+$0x0 ss:$0x1], $0xffff;
	_ =	sdelay $0x4  }
0x144: {  	(v2sf) =	vpush v6, $0x0;
	_ =	sdelay $0xe  }
0x145: {  	s6 =	spop (v2sf)  }
0x146: {  	s7 =	sshra.s32 s6, $0x1F  }
0x147: {  	s7 =	sshrl.u32 s7, $0x12  }
0x148: {  	s7 =	sadd.s32 s7, s6  }
0x149: {  	s15 =	sand.u32 $0xFFFFC000, s7  }
0x14a: {  	p2 =	slt.s32 s6, $0x1;
	p1 =	sne.s32 s6, s15  }
0x14b: {  	p1 =	por !p2, !p1  }
0x14c: {  	s29 =	simm.s32 $0x1;
	s7 =	sshra.s32 s7, $0xE;
	p1 =	por !p1, !p1  }
0x14d: {  	s30 =	sadd.s32 s7, s25;
	s29 =	simm.s32 @!p1 $0x0  }
0x14e: {  	s6 =	ssub.s32 s6, s15;
	s31 =	ssub.s32 s30, s29;
	s7 =	ssub.s32 s7, s29  }
0x14f: {  	s29 =	sshll.u32 s6, $0xD;
	s15 =	sshll.u32 s31, $0xF;
	s7 =	sand.u32 $0x3, s7  }
0x150: {  	s6 =	sshll.u32 s6, $0x7;
	s15 =	sand.u32 $0xFFFE0000, s15;
	s7 =	sshll.u32 s7, $0x9  }
0x151: {  	s29 =	sand.u32 $0x7FF0000, s29;
	s6 =	sand.u32 $0x380, s6;
	s7 =	sor.u32 s7, s15  }
0x152: {  	s6 =	sor.u32 s6, s29;
	s7 =	sshra.s32 s7, $0x2  }
0x153: {  	s6 =	sshrl.u32 s6, $0x3;
	s15 =	sadd.s32 $0x14200, s7  }
0x154: {  	s29 =	simm.s32 $0xFFFE0800;
	s6 =	sadd.s32 s2, s6;
	s7 =	sadd.s32 $0xFFFF8000, s15  }
0x155: {  	[hbm4b:s6+s3] =	stream.linear.scatter [tilespmem:s7], [sflag:$0x4], $0x80, $0x38;
	[tilespmem:$0x1C200] =	vst v63  }
.LBB2_22:
0x156: {  	p1 =	sne.s32 s29, $0xFFFFF800  }
.Ltmp17:
0x157: {  	_ = 	snop;
	(pc) =	sbr.rel @p1 .LBB2_22-.Ltmp17, $4  }
0x158: {  	_ = 	snop  }
0x159: {  	s7 =	sshra.s32 s29, $0x2;
	s29 =	sadd.s32 $0x800, s29  }
0x15a: {  	s6 =	sadd.s32 $0x80, s6;
	s7 =	sadd.s32 s7, s15  }
0x15b: {  	[hbm4b:s6+s3] =	stream.linear.scatter [tilespmem:s7], [sflag:$0x4], $0x80, $0x38;
	[tilespmem:$0x1C200] =	vst v63  }
0x15c: {  	s0 =	sadd.s32 $0x1, s0  }
0x15d: {  	p1 =	sne.s32 s0, s1  }
.Ltmp18:
0x15e: {  	_ = 	snop;
	(pc) =	sbr.rel @p1 .LBB2_21-.Ltmp18, $1  }
0x15f: {  	_ =	sdelay $0x3  }
0x160: {  	p1 =	sne.s32 s1, $0x1  }
.Ltmp19:
0x161: {  	_ = 	snop;
	(pc) =	sbr.rel @!p1 .LBB2_26-.Ltmp19, $3  }
0x162: {  	_ =	sdelay $0x1  }
0x163: {  	_ =	swait.ge [sflag:s23], $0x2000  }
0x164: {  	s0 =	sadd.s32 $0xFFFFFFFF, s1;
	[sflag:s23] =	ssyncset.done $0x0  }
.LBB2_25:
0x165: {  	p1 =	sne.s32 s0, $0x1;
	s0 =	sadd.s32 $0xFFFFFFFF, s0;
	[sflag:s23] =	ssyncadd.s32 $0xFFFFE000  }
.Ltmp20:
0x166: {  	(pc) =	sbr.rel @p1 .LBB2_25-.Ltmp20, $3  }
0x167: {  	_ =	sdelay $0x1  }
0x168: {  	_ =	swait.ge [sflag:s23], $0x2000  }
0x169: {  	[sflag:s23] =	ssyncset.done $0x0  }
.LBB2_26:
0x16a: {  	[sflag:s23] =	ssyncadd.s32 $0xFFFFE000  }
.LBB2_27:
.Ltmp21:
0x16b: {  	(pc) =	sbr.rel @p0 .LBB2_35-.Ltmp21, $1  }
0x16c: {  	_ =	sdelay $0x3  }
.Ltmp22:
0x16d: {  	(pc) =	sbr.rel .LBB2_11-.Ltmp22, $4  }
0x16e: {  	_ = 	snop  }
0x16f: {  	s0 =	sshll.u32 s26, $0xD  }
0x170: {  	s26 =	sadd.s32 $0x1, s26;
	s25 =	sadd.s32 $0xFFFFFFF8, s25;
	s0 =	sadd.s32 s0, s9  }
0x171: {  	[tilespmem:s16], [sflag:$0x2] =	stream.strided.gather [hbm4b:s0+s13], $0x8000, s14, s13, $0x38;
	[tilespmem:$0x1C200] =	vst v63  }
.LBB2_30:
.Ltmp23:
0x172: {  	(pc) =	sbr.rel .LBB2_34-.Ltmp23, $2  }
0x173: {  	_ =	sdelay $0x2  }
0x174: {  	s31 =	simm.s32 $0x0  }
.LBB2_32:
.Ltmp24:
0x175: {  	(pc) =	sbr.rel .LBB2_34-.Ltmp24, $2  }
0x176: {  	_ =	sdelay $0x2  }
0x177: {  	s31 =	simm.s32 $0x0  }
.LBB2_36:
0x178: {  	_ =	sfence.sel $0x180000  }
0x179: {  	[bflag:$0x0] =	sbarrier.arrive $0xFFFF  }
0x17a: {  	_ =	strace $0x90000047  }
0x17b: {  	s0 =	stileid.u32;
	[bflag:$0x2] =	sbarrier.arrive $0xFFFF  }
0x17c: {  	p0 =	sne.s32 s0, $0x0;
	s0 =	rddreg [dreg:$0x3]  }
0x17d: {  	s0 =	sadd.s32 @!p0 $0x100000, s0  }
0x17e: {  	[sflag:s0] =	ssyncadd.tile.s32 @!p0 $0x1;
	_ =	shalt  }
.Lfunc_end2:
_tile_overlayer_lowered:
.L_overlay_start_2:
0x17f: {  	(tag) =	ssettag $0x2  }
0x180: {  	s0 =	rddreg [dreg:$0x0];
	s2 =	stileid.u32  }
0x181: {  	s1 =	rddreg [dreg:$0x1];
	p0 =	sne.s32 s2, $0x0  }
0x182: {  	s3 =	rddreg [dreg:$0x2];
	[bflag:$0x3] =	sbarrier.arrive $0xFFFF;
	s2 =	simm.s32 @!p0 $0x1C05  }
0x183: {  	[timem:s3], [sflag:s2] =	dma.local @!p0 [hbm:s0], s1  }
0x184: {  	s0 =	simm.s32 @!p0 $0x5  }
0x185: {  	_ =	swait.ge @!p0 [sflag:s0], s1  }
0x186: {  	s1 =	ssub.s32 @!p0 $0x0, s1;
	[sflag:s0] =	ssyncset.done @!p0 $0x0  }
0x187: {  	[sflag:s0] =	ssyncadd.s32 @!p0 s1  }
0x188: {  	[bflag:$0x3] =	sbarrier.arrive $0xFFFF  }
0x189: {  	_ =	shalt  }

</sc_bundles>
